<compile_context>
chip_gen: v7x
topology: tpu7x:2x2x1
jax: 0.10.2.dev20260603
libtpu: 0.0.44.dev20260713+nightly
codegen_flags: <defaults>
</compile_context>

<pallas_src>
import functools

import jax
import jax.numpy as jnp
from jax import lax
from jax.experimental import pallas as pl
from jax.experimental.pallas import tpu as pltpu
from jax.experimental.pallas import tpu_sc as plsc

_L = 16
_NC = 2
_NS = 16
_NW = _NC * _NS
_U = 20
_UZ = 8
_EPM = 10240


def _presence_kernel(npad, e, edge_hbm, out_hbm, idx_v, hist_v,
                     stage_sh, red_v, acc_v):
    cid = lax.axis_index("c")
    sid = lax.axis_index("s")
    wid = sid * _NC + cid

    nfull = e // _EPM
    rem = e - nfull * _EPM

    zero16 = jnp.zeros((_L,), jnp.float32)
    one16 = jnp.ones((_L,), jnp.float32)

    def _zero_hist(i, carry):
        for j in range(_UZ):
            hist_v[pl.ds((i * _UZ + j) * _L, _L)] = zero16
        return carry
    lax.fori_loop(0, npad // (_L * _UZ), _zero_hist, 0)

    def _scatter_body(i, carry):
        for j in range(_U):
            idx = idx_v[0, pl.ds((i * _U + j) * _L, _L)]
            plsc.store_scatter(hist_v, [idx], one16)
        return carry

    @pl.when(wid < nfull)
    def _():
        pltpu.sync_copy(edge_hbm.at[:, pl.ds(wid * _EPM, _EPM)], idx_v)
        lax.fori_loop(0, _EPM // (_L * _U), _scatter_body, 0)

    if rem:
        @pl.when(wid == nfull)
        def _():
            pltpu.sync_copy(edge_hbm.at[:, pl.ds(nfull * _EPM, rem)],
                            idx_v.at[:, pl.ds(0, rem)])
            lax.fori_loop(0, rem // (_L * _U), _scatter_body, 0)

    pltpu.sync_copy(hist_v, stage_sh.at[sid])
    plsc.subcore_barrier()

    ch = npad // _NS
    base = sid * ch

    pltpu.sync_copy(stage_sh.at[:, pl.ds(base, ch)], red_v)

    def _accum(i, carry):
        o = i * _L
        v = red_v[0, pl.ds(o, _L)]
        for k in range(1, _NS):
            v = v + red_v[k, pl.ds(o, _L)]
        acc_v[pl.ds(o, _L)] = v
        return carry
    lax.fori_loop(0, ch // _L, _accum, 0)

    pltpu.sync_copy(acc_v, out_hbm.at[cid, pl.ds(base, ch)])


def _node_presence(edge_index, npad):
    e = edge_index.shape[1]
    mesh = plsc.VectorSubcoreMesh(core_axis_name="c", subcore_axis_name="s")
    return pl.kernel(
        functools.partial(_presence_kernel, npad, e),
        out_type=jax.ShapeDtypeStruct((_NC, npad), jnp.float32),
        mesh=mesh,
        compiler_params=pltpu.CompilerParams(needs_layout_passes=False),
        scratch_types=[
            pltpu.VMEM((2, _EPM), jnp.int32),
            pltpu.VMEM((npad,), jnp.float32),
            pltpu.VMEM_SHARED((_NS, npad), jnp.float32),
            pltpu.VMEM((_NS, npad // _NS), jnp.float32),
            pltpu.VMEM((npad // _NS,), jnp.float32),
        ],
    )(edge_index)


def _enc_kernel(x_ref, wue_ref, bue_ref, wself_ref, bconv_ref, at_ref):
    h = bue_ref.shape[0]
    h_user = jnp.maximum(
        jnp.dot(x_ref[...], wue_ref[...], preferred_element_type=jnp.float32)
        + bue_ref[...].reshape(1, h), 0.0)
    a = (jnp.dot(h_user, wself_ref[...], preferred_element_type=jnp.float32)
         + bconv_ref[...].reshape(1, h))
    at_ref[...] = a.T


def _head_kernel(rb, at_ref, deg_ref, bme_ref, wnbr_ref, w1_ref, b1_ref,
                 w2_ref, b2_ref, out_ref):
    i = pl.program_id(0)
    hh = bme_ref.shape[0]
    off = pl.multiple_of(i * rb, 128)
    c = jnp.sum(jnp.maximum(bme_ref[...].reshape(1, hh), 0.0).T
                * wnbr_ref[...], axis=0, keepdims=True)
    mask = (deg_ref[0:1, pl.ds(off, rb)]
            + deg_ref[1:2, pl.ds(off, rb)]) > 0.0
    u = jnp.maximum(at_ref[...] + jnp.where(mask, c.T, 0.0), 0.0)
    h = jnp.maximum(
        jnp.dot(w1_ref[...].T, u, preferred_element_type=jnp.float32)
        + b1_ref[...].reshape(1, 8).T, 0.0)
    out_ref[...] = (jnp.dot(w2_ref[...].T, h,
                            preferred_element_type=jnp.float32)
                    + b2_ref[...].reshape(1, 1))


def kernel(x, edge_index, W_ue, b_ue, W_me, b_me, W_nbr, W_self, b_conv,
           W1, b1, W2, b2):
    del W_me
    n, d = x.shape
    h = W_ue.shape[1]
    npad = ((n + _NW * _L - 1) // (_NW * _L)) * (_NW * _L)

    degs = _node_presence(edge_index, npad)

    rb = 2560
    grid = (npad // rb,)
    full = lambda i: (0, 0)
    row = lambda i: (i, 0)
    col = lambda i: (0, i)

    at = pl.pallas_call(
        _enc_kernel,
        grid=grid,
        in_specs=[
            pl.BlockSpec((rb, d), row),
            pl.BlockSpec((d, h), full),
            pl.BlockSpec((h,), lambda i: (0,)),
            pl.BlockSpec((h, h), full),
            pl.BlockSpec((h,), lambda i: (0,)),
        ],
        out_specs=pl.BlockSpec((h, rb), col),
        out_shape=jax.ShapeDtypeStruct((h, npad), jnp.float32),
    )(x, W_ue, b_ue, W_self, b_conv)

    predt = pl.pallas_call(
        functools.partial(_head_kernel, rb),
        grid=grid,
        in_specs=[
            pl.BlockSpec((h, rb), col),
            pl.BlockSpec((_NC, npad), full),
            pl.BlockSpec((h,), lambda i: (0,)),
            pl.BlockSpec((h, h), full),
            pl.BlockSpec((h, 8), full),
            pl.BlockSpec((8,), lambda i: (0,)),
            pl.BlockSpec((8, 1), full),
            pl.BlockSpec((1,), lambda i: (0,)),
        ],
        out_specs=pl.BlockSpec((1, rb), col),
        out_shape=jax.ShapeDtypeStruct((1, npad), jnp.float32),
    )(at, degs, b_me, W_nbr, W1, b1, W2, b2)

    return predt[0, :n].reshape(n, 1)

# --- scband reference (transcript-rebuilt; emitter-appended) ---
"""Pipeline reference for scband-model-wrapper-12017318494616 (READ-ONLY COPY).

The authoritative reference and input builder live on the scoring server;
editing this copy changes nothing except your own understanding.
"""

import jax, jax.numpy as jnp
import numpy as np


def setup_inputs(seed: int = 0) -> dict:
    key = jax.random.key(seed)
    ks = jax.random.split(key, 16)
    N, D, H, E = 10000, 128, 16, 320000
    x = jax.random.normal(ks[0], (N, D), dtype=jnp.float32)
    edge_index = jax.random.randint(ks[1], (2, E), 0, N).astype(jnp.int32)
    s = 0.1
    params = {
        'W_ue': jax.random.normal(ks[2], (D, H), dtype=jnp.float32) * s,
        'b_ue': jnp.zeros((H,), dtype=jnp.float32),
        'W_me': jax.random.normal(ks[3], (D, H), dtype=jnp.float32) * s,
        'b_me': jax.random.normal(ks[4], (H,), dtype=jnp.float32) * s,
        'W_nbr': jax.random.normal(ks[5], (H, H), dtype=jnp.float32) * s,
        'W_self': jax.random.normal(ks[6], (H, H), dtype=jnp.float32) * s,
        'b_conv': jnp.zeros((H,), dtype=jnp.float32),
        'W1': jax.random.normal(ks[7], (H, 8), dtype=jnp.float32) * s,
        'b1': jnp.zeros((8,), dtype=jnp.float32),
        'W2': jax.random.normal(ks[8], (8, 1), dtype=jnp.float32) * s,
        'b2': jnp.zeros((1,), dtype=jnp.float32),
    }
    return {'x': x, 'edge_index': edge_index, **params}


def reference(x, edge_index, W_ue, b_ue, W_me, b_me, W_nbr, W_self, b_conv, W1, b1, W2, b2):
    # ModelWrapper.forward: num_movies = edge_index[1].max() + 1; movie features are zeros
    num_movies = x.shape[0]
    movie_features = jnp.zeros((num_movies, W_me.shape[0]), dtype=x.dtype)
    # inner hetero GNN: per-type encoders
    h_user = jax.nn.relu(x @ W_ue + b_ue)
    h_movie = jax.nn.relu(movie_features @ W_me + b_me)
    # ('movie','rev_rates','user') = edge_index.flip(0): src=movie=edge_index[1], dst=user=edge_index[0]
    src = edge_index[1]
    dst = edge_index[0]
    msgs = jnp.take(h_movie, src, axis=0)
    agg = jax.ops.segment_sum(msgs, dst, num_segments=x.shape[0])
    deg = jax.ops.segment_sum(jnp.ones((src.shape[0],), x.dtype), dst, num_segments=x.shape[0])
    agg = agg / jnp.clip(deg, 1.0)[:, None]
    user_embeddings = jax.nn.relu(agg @ W_nbr + h_user @ W_self + b_conv)
    # pred_head: Linear(16,8) -> ReLU -> Linear(8,1)
    h = jax.nn.relu(user_embeddings @ W1 + b1)
    pred = h @ W2 + b2
    return pred

if __name__ == "__main__":
    import jax
    _d = setup_inputs()
    print(jax.jit(kernel)(*tuple(_d.values())))

</pallas_src>

<mosaic_0001>
#map = affine_map<(d0, d1) -> (0, 0)>
module attributes {stable_mosaic.version = 14 : i64} {
  func.func @_presence_kernel(%arg0: i32, %arg1: i32, %arg2: memref<2x320000xi32, #tpu.memory_space<hbm>>, %arg3: memref<2x10240xf32, #tpu.memory_space<hbm>>, %arg4: memref<2x10240xi32, #tpu.memory_space<vmem>>, %arg5: memref<10240xf32, #tpu.memory_space<vmem>>, %arg6: memref<16x10240xf32, #tpu.memory_space<vmem_shared>>, %arg7: memref<16x640xf32, #tpu.memory_space<vmem>>, %arg8: memref<640xf32, #tpu.memory_space<vmem>>) attributes {dimension_semantics = [#tpu.dimension_semantics<core_parallel>, #tpu.dimension_semantics<subcore_parallel>], iteration_bounds = array<i64: 2, 16>, scalar_prefetch = 0 : i64, scratch_operands = 5 : i64, tpu.core_type = #tpu.core_type<sc_vector_subcore>, window_params = [{transform_indices = #map}, {transform_indices = #map}]} {
    %mul3A = arith.constant 2 : i32
    %mul3A_0 = arith.muli %arg1, %mul3A : i32
    %add3A = arith.addi %mul3A_0, %arg0 : i32
    %broadcast_in_dim3A = arith.constant 0.000000e+00 : f32
    %broadcast_in_dim3A_1 = vector.broadcast %broadcast_in_dim3A : f32 to vector<16xf32>
    %broadcast_in_dim3A_2 = arith.constant 1.000000e+00 : f32
    %broadcast_in_dim3A_3 = vector.broadcast %broadcast_in_dim3A_2 : f32 to vector<16xf32>
    %scan3A = arith.constant 0 : i32
    %scan3A_4 = arith.constant 0 : i32
    %scan3A_5 = arith.constant 80 : i32
    %scan3A_6 = arith.addi %scan3A_4, %scan3A_5 : i32
    %scan3A_7 = arith.constant 1 : i32
    scf.for %scan3A_23 = %scan3A_4 to %scan3A_6 step %scan3A_7  : i32 {
      %mul3A_24 = arith.constant 8 : i32
      %mul3A_25 = arith.muli %scan3A_23, %mul3A_24 : i32
      %add3A_26 = arith.constant 0 : i32
      %add3A_27 = arith.addi %mul3A_25, %add3A_26 : i32
      %mul3A_28 = arith.constant 16 : i32
      %mul3A_29 = arith.muli %add3A_27, %mul3A_28 : i32
      %swap3A = arith.index_cast %mul3A_29 : i32 to index
      %swap3A_30 = tpu.vector_load %arg5[%swap3A] {strides = array<i32>} : memref<10240xf32, #tpu.memory_space<vmem>>, vector<16xf32>,
      tpu.vector_store %arg5[%swap3A], %broadcast_in_dim3A_1 {strides = array<i32>} : memref<10240xf32, #tpu.memory_space<vmem>>, vector<16xf32>,
      %mul3A_31 = arith.constant 8 : i32
      %mul3A_32 = arith.muli %scan3A_23, %mul3A_31 : i32
      %add3A_33 = arith.constant 1 : i32
      %add3A_34 = arith.addi %mul3A_32, %add3A_33 : i32
      %mul3A_35 = arith.constant 16 : i32
      %mul3A_36 = arith.muli %add3A_34, %mul3A_35 : i32
      %swap3A_37 = arith.index_cast %mul3A_36 : i32 to index
      %swap3A_38 = tpu.vector_load %arg5[%swap3A_37] {strides = array<i32>} : memref<10240xf32, #tpu.memory_space<vmem>>, vector<16xf32>,
      tpu.vector_store %arg5[%swap3A_37], %broadcast_in_dim3A_1 {strides = array<i32>} : memref<10240xf32, #tpu.memory_space<vmem>>, vector<16xf32>,
      %mul3A_39 = arith.constant 8 : i32
      %mul3A_40 = arith.muli %scan3A_23, %mul3A_39 : i32
      %add3A_41 = arith.constant 2 : i32
      %add3A_42 = arith.addi %mul3A_40, %add3A_41 : i32
      %mul3A_43 = arith.constant 16 : i32
      %mul3A_44 = arith.muli %add3A_42, %mul3A_43 : i32
      %swap3A_45 = arith.index_cast %mul3A_44 : i32 to index
      %swap3A_46 = tpu.vector_load %arg5[%swap3A_45] {strides = array<i32>} : memref<10240xf32, #tpu.memory_space<vmem>>, vector<16xf32>,
      tpu.vector_store %arg5[%swap3A_45], %broadcast_in_dim3A_1 {strides = array<i32>} : memref<10240xf32, #tpu.memory_space<vmem>>, vector<16xf32>,
      %mul3A_47 = arith.constant 8 : i32
      %mul3A_48 = arith.muli %scan3A_23, %mul3A_47 : i32
      %add3A_49 = arith.constant 3 : i32
      %add3A_50 = arith.addi %mul3A_48, %add3A_49 : i32
      %mul3A_51 = arith.constant 16 : i32
      %mul3A_52 = arith.muli %add3A_50, %mul3A_51 : i32
      %swap3A_53 = arith.index_cast %mul3A_52 : i32 to index
      %swap3A_54 = tpu.vector_load %arg5[%swap3A_53] {strides = array<i32>} : memref<10240xf32, #tpu.memory_space<vmem>>, vector<16xf32>,
      tpu.vector_store %arg5[%swap3A_53], %broadcast_in_dim3A_1 {strides = array<i32>} : memref<10240xf32, #tpu.memory_space<vmem>>, vector<16xf32>,
      %mul3A_55 = arith.constant 8 : i32
      %mul3A_56 = arith.muli %scan3A_23, %mul3A_55 : i32
      %add3A_57 = arith.constant 4 : i32
      %add3A_58 = arith.addi %mul3A_56, %add3A_57 : i32
      %mul3A_59 = arith.constant 16 : i32
      %mul3A_60 = arith.muli %add3A_58, %mul3A_59 : i32
      %swap3A_61 = arith.index_cast %mul3A_60 : i32 to index
      %swap3A_62 = tpu.vector_load %arg5[%swap3A_61] {strides = array<i32>} : memref<10240xf32, #tpu.memory_space<vmem>>, vector<16xf32>,
      tpu.vector_store %arg5[%swap3A_61], %broadcast_in_dim3A_1 {strides = array<i32>} : memref<10240xf32, #tpu.memory_space<vmem>>, vector<16xf32>,
      %mul3A_63 = arith.constant 8 : i32
      %mul3A_64 = arith.muli %scan3A_23, %mul3A_63 : i32
      %add3A_65 = arith.constant 5 : i32
      %add3A_66 = arith.addi %mul3A_64, %add3A_65 : i32
      %mul3A_67 = arith.constant 16 : i32
      %mul3A_68 = arith.muli %add3A_66, %mul3A_67 : i32
      %swap3A_69 = arith.index_cast %mul3A_68 : i32 to index
      %swap3A_70 = tpu.vector_load %arg5[%swap3A_69] {strides = array<i32>} : memref<10240xf32, #tpu.memory_space<vmem>>, vector<16xf32>,
      tpu.vector_store %arg5[%swap3A_69], %broadcast_in_dim3A_1 {strides = array<i32>} : memref<10240xf32, #tpu.memory_space<vmem>>, vector<16xf32>,
      %mul3A_71 = arith.constant 8 : i32
      %mul3A_72 = arith.muli %scan3A_23, %mul3A_71 : i32
      %add3A_73 = arith.constant 6 : i32
      %add3A_74 = arith.addi %mul3A_72, %add3A_73 : i32
      %mul3A_75 = arith.constant 16 : i32
      %mul3A_76 = arith.muli %add3A_74, %mul3A_75 : i32
      %swap3A_77 = arith.index_cast %mul3A_76 : i32 to index
      %swap3A_78 = tpu.vector_load %arg5[%swap3A_77] {strides = array<i32>} : memref<10240xf32, #tpu.memory_space<vmem>>, vector<16xf32>,
      tpu.vector_store %arg5[%swap3A_77], %broadcast_in_dim3A_1 {strides = array<i32>} : memref<10240xf32, #tpu.memory_space<vmem>>, vector<16xf32>,
      %mul3A_79 = arith.constant 8 : i32
      %mul3A_80 = arith.muli %scan3A_23, %mul3A_79 : i32
      %add3A_81 = arith.constant 7 : i32
      %add3A_82 = arith.addi %mul3A_80, %add3A_81 : i32
      %mul3A_83 = arith.constant 16 : i32
      %mul3A_84 = arith.muli %add3A_82, %mul3A_83 : i32
      %swap3A_85 = arith.index_cast %mul3A_84 : i32 to index
      %swap3A_86 = tpu.vector_load %arg5[%swap3A_85] {strides = array<i32>} : memref<10240xf32, #tpu.memory_space<vmem>>, vector<16xf32>,
      tpu.vector_store %arg5[%swap3A_85], %broadcast_in_dim3A_1 {strides = array<i32>} : memref<10240xf32, #tpu.memory_space<vmem>>, vector<16xf32>,
    }
    %scan3A_8 = arith.constant 80 : i32
    %lt3A = arith.constant 31 : i32
    %lt3A_9 = arith.cmpi slt, %add3A, %lt3A : i32
    %convert_element_type3A = arith.extui %lt3A_9 : i1 to i32
    %cond3A = arith.constant 0 : i32
    %cond3A_10 = arith.cmpi ne, %convert_element_type3A, %cond3A : i32
    scf.if %cond3A_10 {
      %mul3A_23 = arith.constant 10240 : i32
      %mul3A_24 = arith.muli %add3A, %mul3A_23 : i32
      "tpu.region"() ({
        %run_scoped3A = tpu.sem_alloc : memref<!tpu.dma_semaphore, #tpu.memory_space<semaphore_mem>>
        %dma_start3A = arith.constant 0 : i32
        %dma_start3A_31 = tpu.memref_slice %arg2[%dma_start3A, %mul3A_24] : memref<2x320000xi32, #tpu.memory_space<hbm>> -> memref<2x10240xi32, #tpu.memory_space<hbm>>
        %dma_start3A_32 = arith.constant 0 : i32
        %dma_start3A_33 = tpu.memref_slice %arg2[%dma_start3A_32, %mul3A_24] : memref<2x320000xi32, #tpu.memory_space<hbm>> -> memref<2x10240xi32, #tpu.memory_space<hbm>>
        tpu.enqueue_dma source(%dma_start3A_33 : memref<2x10240xi32, #tpu.memory_space<hbm>>) target(%arg4 : memref<2x10240xi32, #tpu.memory_space<vmem>>) target_semaphore(%run_scoped3A : memref<!tpu.dma_semaphore, #tpu.memory_space<semaphore_mem>>)
        %dma_wait3A = arith.constant 0 : i32
        %dma_wait3A_34 = tpu.memref_slice %arg2[%dma_wait3A, %mul3A_24] : memref<2x320000xi32, #tpu.memory_space<hbm>> -> memref<2x10240xi32, #tpu.memory_space<hbm>>
        %dma_wait3A_35 = arith.constant 0 : i32
        %dma_wait3A_36 = tpu.memref_slice %arg2[%dma_wait3A_35, %mul3A_24] : memref<2x320000xi32, #tpu.memory_space<hbm>> -> memref<2x10240xi32, #tpu.memory_space<hbm>>
        tpu.wait_dma2 semaphore(%run_scoped3A : memref<!tpu.dma_semaphore, #tpu.memory_space<semaphore_mem>>) src(%dma_wait3A_36 : memref<2x10240xi32, #tpu.memory_space<hbm>>) dst(%arg4 : memref<2x10240xi32, #tpu.memory_space<vmem>>)
        tpu.yield
      }) : () -> ()
      %scan3A_25 = arith.constant 0 : i32
      %scan3A_26 = arith.constant 0 : i32
      %scan3A_27 = arith.constant 32 : i32
      %scan3A_28 = arith.addi %scan3A_26, %scan3A_27 : i32
      %scan3A_29 = arith.constant 1 : i32
      scf.for %scan3A_31 = %scan3A_26 to %scan3A_28 step %scan3A_29  : i32 {
        %mul3A_32 = arith.constant 20 : i32
        %mul3A_33 = arith.muli %scan3A_31, %mul3A_32 : i32
        %add3A_34 = arith.constant 0 : i32
        %add3A_35 = arith.addi %mul3A_33, %add3A_34 : i32
        %mul3A_36 = arith.constant 16 : i32
        %mul3A_37 = arith.muli %add3A_35, %mul3A_36 : i32
        %get3A = arith.constant 0 : i32
        %get3A_38 = arith.index_cast %get3A : i32 to index
        %get3A_39 = arith.index_cast %mul3A_37 : i32 to index
        %get3A_40 = tpu.vector_load %arg4[%get3A_38, %get3A_39] {strides = array<i32>} : memref<2x10240xi32, #tpu.memory_space<vmem>>, vector<16xi32>,
        tpu.vector_store_idx %arg5[%get3A_40], %broadcast_in_dim3A_3 : memref<10240xf32, #tpu.memory_space<vmem>>[vector<16xi32>], vector<16xf32>,
        %mul3A_41 = arith.constant 20 : i32
        %mul3A_42 = arith.muli %scan3A_31, %mul3A_41 : i32
        %add3A_43 = arith.constant 1 : i32
        %add3A_44 = arith.addi %mul3A_42, %add3A_43 : i32
        %mul3A_45 = arith.constant 16 : i32
        %mul3A_46 = arith.muli %add3A_44, %mul3A_45 : i32
        %get3A_47 = arith.constant 0 : i32
        %get3A_48 = arith.index_cast %get3A_47 : i32 to index
        %get3A_49 = arith.index_cast %mul3A_46 : i32 to index
        %get3A_50 = tpu.vector_load %arg4[%get3A_48, %get3A_49] {strides = array<i32>} : memref<2x10240xi32, #tpu.memory_space<vmem>>, vector<16xi32>,
        tpu.vector_store_idx %arg5[%get3A_50], %broadcast_in_dim3A_3 : memref<10240xf32, #tpu.memory_space<vmem>>[vector<16xi32>], vector<16xf32>,
        %mul3A_51 = arith.constant 20 : i32
        %mul3A_52 = arith.muli %scan3A_31, %mul3A_51 : i32
        %add3A_53 = arith.constant 2 : i32
        %add3A_54 = arith.addi %mul3A_52, %add3A_53 : i32
        %mul3A_55 = arith.constant 16 : i32
        %mul3A_56 = arith.muli %add3A_54, %mul3A_55 : i32
        %get3A_57 = arith.constant 0 : i32
        %get3A_58 = arith.index_cast %get3A_57 : i32 to index
        %get3A_59 = arith.index_cast %mul3A_56 : i32 to index
        %get3A_60 = tpu.vector_load %arg4[%get3A_58, %get3A_59] {strides = array<i32>} : memref<2x10240xi32, #tpu.memory_space<vmem>>, vector<16xi32>,
        tpu.vector_store_idx %arg5[%get3A_60], %broadcast_in_dim3A_3 : memref<10240xf32, #tpu.memory_space<vmem>>[vector<16xi32>], vector<16xf32>,
        %mul3A_61 = arith.constant 20 : i32
        %mul3A_62 = arith.muli %scan3A_31, %mul3A_61 : i32
        %add3A_63 = arith.constant 3 : i32
        %add3A_64 = arith.addi %mul3A_62, %add3A_63 : i32
        %mul3A_65 = arith.constant 16 : i32
        %mul3A_66 = arith.muli %add3A_64, %mul3A_65 : i32
        %get3A_67 = arith.constant 0 : i32
        %get3A_68 = arith.index_cast %get3A_67 : i32 to index
        %get3A_69 = arith.index_cast %mul3A_66 : i32 to index
        %get3A_70 = tpu.vector_load %arg4[%get3A_68, %get3A_69] {strides = array<i32>} : memref<2x10240xi32, #tpu.memory_space<vmem>>, vector<16xi32>,
        tpu.vector_store_idx %arg5[%get3A_70], %broadcast_in_dim3A_3 : memref<10240xf32, #tpu.memory_space<vmem>>[vector<16xi32>], vector<16xf32>,
        %mul3A_71 = arith.constant 20 : i32
        %mul3A_72 = arith.muli %scan3A_31, %mul3A_71 : i32
        %add3A_73 = arith.constant 4 : i32
        %add3A_74 = arith.addi %mul3A_72, %add3A_73 : i32
        %mul3A_75 = arith.constant 16 : i32
        %mul3A_76 = arith.muli %add3A_74, %mul3A_75 : i32
        %get3A_77 = arith.constant 0 : i32
        %get3A_78 = arith.index_cast %get3A_77 : i32 to index
        %get3A_79 = arith.index_cast %mul3A_76 : i32 to index
        %get3A_80 = tpu.vector_load %arg4[%get3A_78, %get3A_79] {strides = array<i32>} : memref<2x10240xi32, #tpu.memory_space<vmem>>, vector<16xi32>,
        tpu.vector_store_idx %arg5[%get3A_80], %broadcast_in_dim3A_3 : memref<10240xf32, #tpu.memory_space<vmem>>[vector<16xi32>], vector<16xf32>,
        %mul3A_81 = arith.constant 20 : i32
        %mul3A_82 = arith.muli %scan3A_31, %mul3A_81 : i32
        %add3A_83 = arith.constant 5 : i32
        %add3A_84 = arith.addi %mul3A_82, %add3A_83 : i32
        %mul3A_85 = arith.constant 16 : i32
        %mul3A_86 = arith.muli %add3A_84, %mul3A_85 : i32
        %get3A_87 = arith.constant 0 : i32
        %get3A_88 = arith.index_cast %get3A_87 : i32 to index
        %get3A_89 = arith.index_cast %mul3A_86 : i32 to index
        %get3A_90 = tpu.vector_load %arg4[%get3A_88, %get3A_89] {strides = array<i32>} : memref<2x10240xi32, #tpu.memory_space<vmem>>, vector<16xi32>,
        tpu.vector_store_idx %arg5[%get3A_90], %broadcast_in_dim3A_3 : memref<10240xf32, #tpu.memory_space<vmem>>[vector<16xi32>], vector<16xf32>,
        %mul3A_91 = arith.constant 20 : i32
        %mul3A_92 = arith.muli %scan3A_31, %mul3A_91 : i32
        %add3A_93 = arith.constant 6 : i32
        %add3A_94 = arith.addi %mul3A_92, %add3A_93 : i32
        %mul3A_95 = arith.constant 16 : i32
        %mul3A_96 = arith.muli %add3A_94, %mul3A_95 : i32
        %get3A_97 = arith.constant 0 : i32
        %get3A_98 = arith.index_cast %get3A_97 : i32 to index
        %get3A_99 = arith.index_cast %mul3A_96 : i32 to index
        %get3A_100 = tpu.vector_load %arg4[%get3A_98, %get3A_99] {strides = array<i32>} : memref<2x10240xi32, #tpu.memory_space<vmem>>, vector<16xi32>,
        tpu.vector_store_idx %arg5[%get3A_100], %broadcast_in_dim3A_3 : memref<10240xf32, #tpu.memory_space<vmem>>[vector<16xi32>], vector<16xf32>,
        %mul3A_101 = arith.constant 20 : i32
        %mul3A_102 = arith.muli %scan3A_31, %mul3A_101 : i32
        %add3A_103 = arith.constant 7 : i32
        %add3A_104 = arith.addi %mul3A_102, %add3A_103 : i32
        %mul3A_105 = arith.constant 16 : i32
        %mul3A_106 = arith.muli %add3A_104, %mul3A_105 : i32
        %get3A_107 = arith.constant 0 : i32
        %get3A_108 = arith.index_cast %get3A_107 : i32 to index
        %get3A_109 = arith.index_cast %mul3A_106 : i32 to index
        %get3A_110 = tpu.vector_load %arg4[%get3A_108, %get3A_109] {strides = array<i32>} : memref<2x10240xi32, #tpu.memory_space<vmem>>, vector<16xi32>,
        tpu.vector_store_idx %arg5[%get3A_110], %broadcast_in_dim3A_3 : memref<10240xf32, #tpu.memory_space<vmem>>[vector<16xi32>], vector<16xf32>,
        %mul3A_111 = arith.constant 20 : i32
        %mul3A_112 = arith.muli %scan3A_31, %mul3A_111 : i32
        %add3A_113 = arith.constant 8 : i32
        %add3A_114 = arith.addi %mul3A_112, %add3A_113 : i32
        %mul3A_115 = arith.constant 16 : i32
        %mul3A_116 = arith.muli %add3A_114, %mul3A_115 : i32
        %get3A_117 = arith.constant 0 : i32
        %get3A_118 = arith.index_cast %get3A_117 : i32 to index
        %get3A_119 = arith.index_cast %mul3A_116 : i32 to index
        %get3A_120 = tpu.vector_load %arg4[%get3A_118, %get3A_119] {strides = array<i32>} : memref<2x10240xi32, #tpu.memory_space<vmem>>, vector<16xi32>,
        tpu.vector_store_idx %arg5[%get3A_120], %broadcast_in_dim3A_3 : memref<10240xf32, #tpu.memory_space<vmem>>[vector<16xi32>], vector<16xf32>,
        %mul3A_121 = arith.constant 20 : i32
        %mul3A_122 = arith.muli %scan3A_31, %mul3A_121 : i32
        %add3A_123 = arith.constant 9 : i32
        %add3A_124 = arith.addi %mul3A_122, %add3A_123 : i32
        %mul3A_125 = arith.constant 16 : i32
        %mul3A_126 = arith.muli %add3A_124, %mul3A_125 : i32
        %get3A_127 = arith.constant 0 : i32
        %get3A_128 = arith.index_cast %get3A_127 : i32 to index
        %get3A_129 = arith.index_cast %mul3A_126 : i32 to index
        %get3A_130 = tpu.vector_load %arg4[%get3A_128, %get3A_129] {strides = array<i32>} : memref<2x10240xi32, #tpu.memory_space<vmem>>, vector<16xi32>,
        tpu.vector_store_idx %arg5[%get3A_130], %broadcast_in_dim3A_3 : memref<10240xf32, #tpu.memory_space<vmem>>[vector<16xi32>], vector<16xf32>,
        %mul3A_131 = arith.constant 20 : i32
        %mul3A_132 = arith.muli %scan3A_31, %mul3A_131 : i32
        %add3A_133 = arith.constant 10 : i32
        %add3A_134 = arith.addi %mul3A_132, %add3A_133 : i32
        %mul3A_135 = arith.constant 16 : i32
        %mul3A_136 = arith.muli %add3A_134, %mul3A_135 : i32
        %get3A_137 = arith.constant 0 : i32
        %get3A_138 = arith.index_cast %get3A_137 : i32 to index
        %get3A_139 = arith.index_cast %mul3A_136 : i32 to index
        %get3A_140 = tpu.vector_load %arg4[%get3A_138, %get3A_139] {strides = array<i32>} : memref<2x10240xi32, #tpu.memory_space<vmem>>, vector<16xi32>,
        tpu.vector_store_idx %arg5[%get3A_140], %broadcast_in_dim3A_3 : memref<10240xf32, #tpu.memory_space<vmem>>[vector<16xi32>], vector<16xf32>,
        %mul3A_141 = arith.constant 20 : i32
        %mul3A_142 = arith.muli %scan3A_31, %mul3A_141 : i32
        %add3A_143 = arith.constant 11 : i32
        %add3A_144 = arith.addi %mul3A_142, %add3A_143 : i32
        %mul3A_145 = arith.constant 16 : i32
        %mul3A_146 = arith.muli %add3A_144, %mul3A_145 : i32
        %get3A_147 = arith.constant 0 : i32
        %get3A_148 = arith.index_cast %get3A_147 : i32 to index
        %get3A_149 = arith.index_cast %mul3A_146 : i32 to index
        %get3A_150 = tpu.vector_load %arg4[%get3A_148, %get3A_149] {strides = array<i32>} : memref<2x10240xi32, #tpu.memory_space<vmem>>, vector<16xi32>,
        tpu.vector_store_idx %arg5[%get3A_150], %broadcast_in_dim3A_3 : memref<10240xf32, #tpu.memory_space<vmem>>[vector<16xi32>], vector<16xf32>,
        %mul3A_151 = arith.constant 20 : i32
        %mul3A_152 = arith.muli %scan3A_31, %mul3A_151 : i32
        %add3A_153 = arith.constant 12 : i32
        %add3A_154 = arith.addi %mul3A_152, %add3A_153 : i32
        %mul3A_155 = arith.constant 16 : i32
        %mul3A_156 = arith.muli %add3A_154, %mul3A_155 : i32
        %get3A_157 = arith.constant 0 : i32
        %get3A_158 = arith.index_cast %get3A_157 : i32 to index
        %get3A_159 = arith.index_cast %mul3A_156 : i32 to index
        %get3A_160 = tpu.vector_load %arg4[%get3A_158, %get3A_159] {strides = array<i32>} : memref<2x10240xi32, #tpu.memory_space<vmem>>, vector<16xi32>,
        tpu.vector_store_idx %arg5[%get3A_160], %broadcast_in_dim3A_3 : memref<10240xf32, #tpu.memory_space<vmem>>[vector<16xi32>], vector<16xf32>,
        %mul3A_161 = arith.constant 20 : i32
        %mul3A_162 = arith.muli %scan3A_31, %mul3A_161 : i32
        %add3A_163 = arith.constant 13 : i32
        %add3A_164 = arith.addi %mul3A_162, %add3A_163 : i32
        %mul3A_165 = arith.constant 16 : i32
        %mul3A_166 = arith.muli %add3A_164, %mul3A_165 : i32
        %get3A_167 = arith.constant 0 : i32
        %get3A_168 = arith.index_cast %get3A_167 : i32 to index
        %get3A_169 = arith.index_cast %mul3A_166 : i32 to index
        %get3A_170 = tpu.vector_load %arg4[%get3A_168, %get3A_169] {strides = array<i32>} : memref<2x10240xi32, #tpu.memory_space<vmem>>, vector<16xi32>,
        tpu.vector_store_idx %arg5[%get3A_170], %broadcast_in_dim3A_3 : memref<10240xf32, #tpu.memory_space<vmem>>[vector<16xi32>], vector<16xf32>,
        %mul3A_171 = arith.constant 20 : i32
        %mul3A_172 = arith.muli %scan3A_31, %mul3A_171 : i32
        %add3A_173 = arith.constant 14 : i32
        %add3A_174 = arith.addi %mul3A_172, %add3A_173 : i32
        %mul3A_175 = arith.constant 16 : i32
        %mul3A_176 = arith.muli %add3A_174, %mul3A_175 : i32
        %get3A_177 = arith.constant 0 : i32
        %get3A_178 = arith.index_cast %get3A_177 : i32 to index
        %get3A_179 = arith.index_cast %mul3A_176 : i32 to index
        %get3A_180 = tpu.vector_load %arg4[%get3A_178, %get3A_179] {strides = array<i32>} : memref<2x10240xi32, #tpu.memory_space<vmem>>, vector<16xi32>,
        tpu.vector_store_idx %arg5[%get3A_180], %broadcast_in_dim3A_3 : memref<10240xf32, #tpu.memory_space<vmem>>[vector<16xi32>], vector<16xf32>,
        %mul3A_181 = arith.constant 20 : i32
        %mul3A_182 = arith.muli %scan3A_31, %mul3A_181 : i32
        %add3A_183 = arith.constant 15 : i32
        %add3A_184 = arith.addi %mul3A_182, %add3A_183 : i32
        %mul3A_185 = arith.constant 16 : i32
        %mul3A_186 = arith.muli %add3A_184, %mul3A_185 : i32
        %get3A_187 = arith.constant 0 : i32
        %get3A_188 = arith.index_cast %get3A_187 : i32 to index
        %get3A_189 = arith.index_cast %mul3A_186 : i32 to index
        %get3A_190 = tpu.vector_load %arg4[%get3A_188, %get3A_189] {strides = array<i32>} : memref<2x10240xi32, #tpu.memory_space<vmem>>, vector<16xi32>,
        tpu.vector_store_idx %arg5[%get3A_190], %broadcast_in_dim3A_3 : memref<10240xf32, #tpu.memory_space<vmem>>[vector<16xi32>], vector<16xf32>,
        %mul3A_191 = arith.constant 20 : i32
        %mul3A_192 = arith.muli %scan3A_31, %mul3A_191 : i32
        %add3A_193 = arith.constant 16 : i32
        %add3A_194 = arith.addi %mul3A_192, %add3A_193 : i32
        %mul3A_195 = arith.constant 16 : i32
        %mul3A_196 = arith.muli %add3A_194, %mul3A_195 : i32
        %get3A_197 = arith.constant 0 : i32
        %get3A_198 = arith.index_cast %get3A_197 : i32 to index
        %get3A_199 = arith.index_cast %mul3A_196 : i32 to index
        %get3A_200 = tpu.vector_load %arg4[%get3A_198, %get3A_199] {strides = array<i32>} : memref<2x10240xi32, #tpu.memory_space<vmem>>, vector<16xi32>,
        tpu.vector_store_idx %arg5[%get3A_200], %broadcast_in_dim3A_3 : memref<10240xf32, #tpu.memory_space<vmem>>[vector<16xi32>], vector<16xf32>,
        %mul3A_201 = arith.constant 20 : i32
        %mul3A_202 = arith.muli %scan3A_31, %mul3A_201 : i32
        %add3A_203 = arith.constant 17 : i32
        %add3A_204 = arith.addi %mul3A_202, %add3A_203 : i32
        %mul3A_205 = arith.constant 16 : i32
        %mul3A_206 = arith.muli %add3A_204, %mul3A_205 : i32
        %get3A_207 = arith.constant 0 : i32
        %get3A_208 = arith.index_cast %get3A_207 : i32 to index
        %get3A_209 = arith.index_cast %mul3A_206 : i32 to index
        %get3A_210 = tpu.vector_load %arg4[%get3A_208, %get3A_209] {strides = array<i32>} : memref<2x10240xi32, #tpu.memory_space<vmem>>, vector<16xi32>,
        tpu.vector_store_idx %arg5[%get3A_210], %broadcast_in_dim3A_3 : memref<10240xf32, #tpu.memory_space<vmem>>[vector<16xi32>], vector<16xf32>,
        %mul3A_211 = arith.constant 20 : i32
        %mul3A_212 = arith.muli %scan3A_31, %mul3A_211 : i32
        %add3A_213 = arith.constant 18 : i32
        %add3A_214 = arith.addi %mul3A_212, %add3A_213 : i32
        %mul3A_215 = arith.constant 16 : i32
        %mul3A_216 = arith.muli %add3A_214, %mul3A_215 : i32
        %get3A_217 = arith.constant 0 : i32
        %get3A_218 = arith.index_cast %get3A_217 : i32 to index
        %get3A_219 = arith.index_cast %mul3A_216 : i32 to index
        %get3A_220 = tpu.vector_load %arg4[%get3A_218, %get3A_219] {strides = array<i32>} : memref<2x10240xi32, #tpu.memory_space<vmem>>, vector<16xi32>,
        tpu.vector_store_idx %arg5[%get3A_220], %broadcast_in_dim3A_3 : memref<10240xf32, #tpu.memory_space<vmem>>[vector<16xi32>], vector<16xf32>,
        %mul3A_221 = arith.constant 20 : i32
        %mul3A_222 = arith.muli %scan3A_31, %mul3A_221 : i32
        %add3A_223 = arith.constant 19 : i32
        %add3A_224 = arith.addi %mul3A_222, %add3A_223 : i32
        %mul3A_225 = arith.constant 16 : i32
        %mul3A_226 = arith.muli %add3A_224, %mul3A_225 : i32
        %get3A_227 = arith.constant 0 : i32
        %get3A_228 = arith.index_cast %get3A_227 : i32 to index
        %get3A_229 = arith.index_cast %mul3A_226 : i32 to index
        %get3A_230 = tpu.vector_load %arg4[%get3A_228, %get3A_229] {strides = array<i32>} : memref<2x10240xi32, #tpu.memory_space<vmem>>, vector<16xi32>,
        tpu.vector_store_idx %arg5[%get3A_230], %broadcast_in_dim3A_3 : memref<10240xf32, #tpu.memory_space<vmem>>[vector<16xi32>], vector<16xf32>,
      }
      %scan3A_30 = arith.constant 32 : i32
    } else {
    }
    %eq3A = arith.constant 31 : i32
    %eq3A_11 = arith.cmpi eq, %add3A, %eq3A : i32
    %convert_element_type3A_12 = arith.extui %eq3A_11 : i1 to i32
    %cond3A_13 = arith.constant 0 : i32
    %cond3A_14 = arith.cmpi ne, %convert_element_type3A_12, %cond3A_13 : i32
    scf.if %cond3A_14 {
      "tpu.region"() ({
        %run_scoped3A = tpu.sem_alloc : memref<!tpu.dma_semaphore, #tpu.memory_space<semaphore_mem>>
        %dma_start3A = arith.constant 0 : i32
        %dma_start3A_29 = arith.constant 0 : i32
        %dma_start3A_30 = tpu.memref_slice %arg4[%dma_start3A, %dma_start3A_29] : memref<2x10240xi32, #tpu.memory_space<vmem>> -> memref<2x2560xi32, #tpu.memory_space<vmem>>
        %dma_start3A_31 = arith.constant 0 : i32
        %dma_start3A_32 = arith.constant 317440 : i32
        %dma_start3A_33 = tpu.memref_slice %arg2[%dma_start3A_31, %dma_start3A_32] : memref<2x320000xi32, #tpu.memory_space<hbm>> -> memref<2x2560xi32, #tpu.memory_space<hbm>>
        %dma_start3A_34 = arith.constant 0 : i32
        %dma_start3A_35 = arith.constant 0 : i32
        %dma_start3A_36 = tpu.memref_slice %arg4[%dma_start3A_34, %dma_start3A_35] : memref<2x10240xi32, #tpu.memory_space<vmem>> -> memref<2x2560xi32, #tpu.memory_space<vmem>>
        %dma_start3A_37 = arith.constant 0 : i32
        %dma_start3A_38 = arith.constant 317440 : i32
        %dma_start3A_39 = tpu.memref_slice %arg2[%dma_start3A_37, %dma_start3A_38] : memref<2x320000xi32, #tpu.memory_space<hbm>> -> memref<2x2560xi32, #tpu.memory_space<hbm>>
        tpu.enqueue_dma source(%dma_start3A_39 : memref<2x2560xi32, #tpu.memory_space<hbm>>) target(%dma_start3A_36 : memref<2x2560xi32, #tpu.memory_space<vmem>>) target_semaphore(%run_scoped3A : memref<!tpu.dma_semaphore, #tpu.memory_space<semaphore_mem>>)
        %dma_wait3A = arith.constant 0 : i32
        %dma_wait3A_40 = arith.constant 0 : i32
        %dma_wait3A_41 = tpu.memref_slice %arg4[%dma_wait3A, %dma_wait3A_40] : memref<2x10240xi32, #tpu.memory_space<vmem>> -> memref<2x2560xi32, #tpu.memory_space<vmem>>
        %dma_wait3A_42 = arith.constant 0 : i32
        %dma_wait3A_43 = arith.constant 317440 : i32
        %dma_wait3A_44 = tpu.memref_slice %arg2[%dma_wait3A_42, %dma_wait3A_43] : memref<2x320000xi32, #tpu.memory_space<hbm>> -> memref<2x2560xi32, #tpu.memory_space<hbm>>
        %dma_wait3A_45 = arith.constant 0 : i32
        %dma_wait3A_46 = arith.constant 0 : i32
        %dma_wait3A_47 = tpu.memref_slice %arg4[%dma_wait3A_45, %dma_wait3A_46] : memref<2x10240xi32, #tpu.memory_space<vmem>> -> memref<2x2560xi32, #tpu.memory_space<vmem>>
        %dma_wait3A_48 = arith.constant 0 : i32
        %dma_wait3A_49 = arith.constant 317440 : i32
        %dma_wait3A_50 = tpu.memref_slice %arg2[%dma_wait3A_48, %dma_wait3A_49] : memref<2x320000xi32, #tpu.memory_space<hbm>> -> memref<2x2560xi32, #tpu.memory_space<hbm>>
        tpu.wait_dma2 semaphore(%run_scoped3A : memref<!tpu.dma_semaphore, #tpu.memory_space<semaphore_mem>>) src(%dma_wait3A_50 : memref<2x2560xi32, #tpu.memory_space<hbm>>) dst(%dma_wait3A_47 : memref<2x2560xi32, #tpu.memory_space<vmem>>)
        tpu.yield
      }) : () -> ()
      %scan3A_23 = arith.constant 0 : i32
      %scan3A_24 = arith.constant 0 : i32
      %scan3A_25 = arith.constant 8 : i32
      %scan3A_26 = arith.addi %scan3A_24, %scan3A_25 : i32
      %scan3A_27 = arith.constant 1 : i32
      scf.for %scan3A_29 = %scan3A_24 to %scan3A_26 step %scan3A_27  : i32 {
        %mul3A_30 = arith.constant 20 : i32
        %mul3A_31 = arith.muli %scan3A_29, %mul3A_30 : i32
        %add3A_32 = arith.constant 0 : i32
        %add3A_33 = arith.addi %mul3A_31, %add3A_32 : i32
        %mul3A_34 = arith.constant 16 : i32
        %mul3A_35 = arith.muli %add3A_33, %mul3A_34 : i32
        %get3A = arith.constant 0 : i32
        %get3A_36 = arith.index_cast %get3A : i32 to index
        %get3A_37 = arith.index_cast %mul3A_35 : i32 to index
        %get3A_38 = tpu.vector_load %arg4[%get3A_36, %get3A_37] {strides = array<i32>} : memref<2x10240xi32, #tpu.memory_space<vmem>>, vector<16xi32>,
        tpu.vector_store_idx %arg5[%get3A_38], %broadcast_in_dim3A_3 : memref<10240xf32, #tpu.memory_space<vmem>>[vector<16xi32>], vector<16xf32>,
        %mul3A_39 = arith.constant 20 : i32
        %mul3A_40 = arith.muli %scan3A_29, %mul3A_39 : i32
        %add3A_41 = arith.constant 1 : i32
        %add3A_42 = arith.addi %mul3A_40, %add3A_41 : i32
        %mul3A_43 = arith.constant 16 : i32
        %mul3A_44 = arith.muli %add3A_42, %mul3A_43 : i32
        %get3A_45 = arith.constant 0 : i32
        %get3A_46 = arith.index_cast %get3A_45 : i32 to index
        %get3A_47 = arith.index_cast %mul3A_44 : i32 to index
        %get3A_48 = tpu.vector_load %arg4[%get3A_46, %get3A_47] {strides = array<i32>} : memref<2x10240xi32, #tpu.memory_space<vmem>>, vector<16xi32>,
        tpu.vector_store_idx %arg5[%get3A_48], %broadcast_in_dim3A_3 : memref<10240xf32, #tpu.memory_space<vmem>>[vector<16xi32>], vector<16xf32>,
        %mul3A_49 = arith.constant 20 : i32
        %mul3A_50 = arith.muli %scan3A_29, %mul3A_49 : i32
        %add3A_51 = arith.constant 2 : i32
        %add3A_52 = arith.addi %mul3A_50, %add3A_51 : i32
        %mul3A_53 = arith.constant 16 : i32
        %mul3A_54 = arith.muli %add3A_52, %mul3A_53 : i32
        %get3A_55 = arith.constant 0 : i32
        %get3A_56 = arith.index_cast %get3A_55 : i32 to index
        %get3A_57 = arith.index_cast %mul3A_54 : i32 to index
        %get3A_58 = tpu.vector_load %arg4[%get3A_56, %get3A_57] {strides = array<i32>} : memref<2x10240xi32, #tpu.memory_space<vmem>>, vector<16xi32>,
        tpu.vector_store_idx %arg5[%get3A_58], %broadcast_in_dim3A_3 : memref<10240xf32, #tpu.memory_space<vmem>>[vector<16xi32>], vector<16xf32>,
        %mul3A_59 = arith.constant 20 : i32
        %mul3A_60 = arith.muli %scan3A_29, %mul3A_59 : i32
        %add3A_61 = arith.constant 3 : i32
        %add3A_62 = arith.addi %mul3A_60, %add3A_61 : i32
        %mul3A_63 = arith.constant 16 : i32
        %mul3A_64 = arith.muli %add3A_62, %mul3A_63 : i32
        %get3A_65 = arith.constant 0 : i32
        %get3A_66 = arith.index_cast %get3A_65 : i32 to index
        %get3A_67 = arith.index_cast %mul3A_64 : i32 to index
        %get3A_68 = tpu.vector_load %arg4[%get3A_66, %get3A_67] {strides = array<i32>} : memref<2x10240xi32, #tpu.memory_space<vmem>>, vector<16xi32>,
        tpu.vector_store_idx %arg5[%get3A_68], %broadcast_in_dim3A_3 : memref<10240xf32, #tpu.memory_space<vmem>>[vector<16xi32>], vector<16xf32>,
        %mul3A_69 = arith.constant 20 : i32
        %mul3A_70 = arith.muli %scan3A_29, %mul3A_69 : i32
        %add3A_71 = arith.constant 4 : i32
        %add3A_72 = arith.addi %mul3A_70, %add3A_71 : i32
        %mul3A_73 = arith.constant 16 : i32
        %mul3A_74 = arith.muli %add3A_72, %mul3A_73 : i32
        %get3A_75 = arith.constant 0 : i32
        %get3A_76 = arith.index_cast %get3A_75 : i32 to index
        %get3A_77 = arith.index_cast %mul3A_74 : i32 to index
        %get3A_78 = tpu.vector_load %arg4[%get3A_76, %get3A_77] {strides = array<i32>} : memref<2x10240xi32, #tpu.memory_space<vmem>>, vector<16xi32>,
        tpu.vector_store_idx %arg5[%get3A_78], %broadcast_in_dim3A_3 : memref<10240xf32, #tpu.memory_space<vmem>>[vector<16xi32>], vector<16xf32>,
        %mul3A_79 = arith.constant 20 : i32
        %mul3A_80 = arith.muli %scan3A_29, %mul3A_79 : i32
        %add3A_81 = arith.constant 5 : i32
        %add3A_82 = arith.addi %mul3A_80, %add3A_81 : i32
        %mul3A_83 = arith.constant 16 : i32
        %mul3A_84 = arith.muli %add3A_82, %mul3A_83 : i32
        %get3A_85 = arith.constant 0 : i32
        %get3A_86 = arith.index_cast %get3A_85 : i32 to index
        %get3A_87 = arith.index_cast %mul3A_84 : i32 to index
        %get3A_88 = tpu.vector_load %arg4[%get3A_86, %get3A_87] {strides = array<i32>} : memref<2x10240xi32, #tpu.memory_space<vmem>>, vector<16xi32>,
        tpu.vector_store_idx %arg5[%get3A_88], %broadcast_in_dim3A_3 : memref<10240xf32, #tpu.memory_space<vmem>>[vector<16xi32>], vector<16xf32>,
        %mul3A_89 = arith.constant 20 : i32
        %mul3A_90 = arith.muli %scan3A_29, %mul3A_89 : i32
        %add3A_91 = arith.constant 6 : i32
        %add3A_92 = arith.addi %mul3A_90, %add3A_91 : i32
        %mul3A_93 = arith.constant 16 : i32
        %mul3A_94 = arith.muli %add3A_92, %mul3A_93 : i32
        %get3A_95 = arith.constant 0 : i32
        %get3A_96 = arith.index_cast %get3A_95 : i32 to index
        %get3A_97 = arith.index_cast %mul3A_94 : i32 to index
        %get3A_98 = tpu.vector_load %arg4[%get3A_96, %get3A_97] {strides = array<i32>} : memref<2x10240xi32, #tpu.memory_space<vmem>>, vector<16xi32>,
        tpu.vector_store_idx %arg5[%get3A_98], %broadcast_in_dim3A_3 : memref<10240xf32, #tpu.memory_space<vmem>>[vector<16xi32>], vector<16xf32>,
        %mul3A_99 = arith.constant 20 : i32
        %mul3A_100 = arith.muli %scan3A_29, %mul3A_99 : i32
        %add3A_101 = arith.constant 7 : i32
        %add3A_102 = arith.addi %mul3A_100, %add3A_101 : i32
        %mul3A_103 = arith.constant 16 : i32
        %mul3A_104 = arith.muli %add3A_102, %mul3A_103 : i32
        %get3A_105 = arith.constant 0 : i32
        %get3A_106 = arith.index_cast %get3A_105 : i32 to index
        %get3A_107 = arith.index_cast %mul3A_104 : i32 to index
        %get3A_108 = tpu.vector_load %arg4[%get3A_106, %get3A_107] {strides = array<i32>} : memref<2x10240xi32, #tpu.memory_space<vmem>>, vector<16xi32>,
        tpu.vector_store_idx %arg5[%get3A_108], %broadcast_in_dim3A_3 : memref<10240xf32, #tpu.memory_space<vmem>>[vector<16xi32>], vector<16xf32>,
        %mul3A_109 = arith.constant 20 : i32
        %mul3A_110 = arith.muli %scan3A_29, %mul3A_109 : i32
        %add3A_111 = arith.constant 8 : i32
        %add3A_112 = arith.addi %mul3A_110, %add3A_111 : i32
        %mul3A_113 = arith.constant 16 : i32
        %mul3A_114 = arith.muli %add3A_112, %mul3A_113 : i32
        %get3A_115 = arith.constant 0 : i32
        %get3A_116 = arith.index_cast %get3A_115 : i32 to index
        %get3A_117 = arith.index_cast %mul3A_114 : i32 to index
        %get3A_118 = tpu.vector_load %arg4[%get3A_116, %get3A_117] {strides = array<i32>} : memref<2x10240xi32, #tpu.memory_space<vmem>>, vector<16xi32>,
        tpu.vector_store_idx %arg5[%get3A_118], %broadcast_in_dim3A_3 : memref<10240xf32, #tpu.memory_space<vmem>>[vector<16xi32>], vector<16xf32>,
        %mul3A_119 = arith.constant 20 : i32
        %mul3A_120 = arith.muli %scan3A_29, %mul3A_119 : i32
        %add3A_121 = arith.constant 9 : i32
        %add3A_122 = arith.addi %mul3A_120, %add3A_121 : i32
        %mul3A_123 = arith.constant 16 : i32
        %mul3A_124 = arith.muli %add3A_122, %mul3A_123 : i32
        %get3A_125 = arith.constant 0 : i32
        %get3A_126 = arith.index_cast %get3A_125 : i32 to index
        %get3A_127 = arith.index_cast %mul3A_124 : i32 to index
        %get3A_128 = tpu.vector_load %arg4[%get3A_126, %get3A_127] {strides = array<i32>} : memref<2x10240xi32, #tpu.memory_space<vmem>>, vector<16xi32>,
        tpu.vector_store_idx %arg5[%get3A_128], %broadcast_in_dim3A_3 : memref<10240xf32, #tpu.memory_space<vmem>>[vector<16xi32>], vector<16xf32>,
        %mul3A_129 = arith.constant 20 : i32
        %mul3A_130 = arith.muli %scan3A_29, %mul3A_129 : i32
        %add3A_131 = arith.constant 10 : i32
        %add3A_132 = arith.addi %mul3A_130, %add3A_131 : i32
        %mul3A_133 = arith.constant 16 : i32
        %mul3A_134 = arith.muli %add3A_132, %mul3A_133 : i32
        %get3A_135 = arith.constant 0 : i32
        %get3A_136 = arith.index_cast %get3A_135 : i32 to index
        %get3A_137 = arith.index_cast %mul3A_134 : i32 to index
        %get3A_138 = tpu.vector_load %arg4[%get3A_136, %get3A_137] {strides = array<i32>} : memref<2x10240xi32, #tpu.memory_space<vmem>>, vector<16xi32>,
        tpu.vector_store_idx %arg5[%get3A_138], %broadcast_in_dim3A_3 : memref<10240xf32, #tpu.memory_space<vmem>>[vector<16xi32>], vector<16xf32>,
        %mul3A_139 = arith.constant 20 : i32
        %mul3A_140 = arith.muli %scan3A_29, %mul3A_139 : i32
        %add3A_141 = arith.constant 11 : i32
        %add3A_142 = arith.addi %mul3A_140, %add3A_141 : i32
        %mul3A_143 = arith.constant 16 : i32
        %mul3A_144 = arith.muli %add3A_142, %mul3A_143 : i32
        %get3A_145 = arith.constant 0 : i32
        %get3A_146 = arith.index_cast %get3A_145 : i32 to index
        %get3A_147 = arith.index_cast %mul3A_144 : i32 to index
        %get3A_148 = tpu.vector_load %arg4[%get3A_146, %get3A_147] {strides = array<i32>} : memref<2x10240xi32, #tpu.memory_space<vmem>>, vector<16xi32>,
        tpu.vector_store_idx %arg5[%get3A_148], %broadcast_in_dim3A_3 : memref<10240xf32, #tpu.memory_space<vmem>>[vector<16xi32>], vector<16xf32>,
        %mul3A_149 = arith.constant 20 : i32
        %mul3A_150 = arith.muli %scan3A_29, %mul3A_149 : i32
        %add3A_151 = arith.constant 12 : i32
        %add3A_152 = arith.addi %mul3A_150, %add3A_151 : i32
        %mul3A_153 = arith.constant 16 : i32
        %mul3A_154 = arith.muli %add3A_152, %mul3A_153 : i32
        %get3A_155 = arith.constant 0 : i32
        %get3A_156 = arith.index_cast %get3A_155 : i32 to index
        %get3A_157 = arith.index_cast %mul3A_154 : i32 to index
        %get3A_158 = tpu.vector_load %arg4[%get3A_156, %get3A_157] {strides = array<i32>} : memref<2x10240xi32, #tpu.memory_space<vmem>>, vector<16xi32>,
        tpu.vector_store_idx %arg5[%get3A_158], %broadcast_in_dim3A_3 : memref<10240xf32, #tpu.memory_space<vmem>>[vector<16xi32>], vector<16xf32>,
        %mul3A_159 = arith.constant 20 : i32
        %mul3A_160 = arith.muli %scan3A_29, %mul3A_159 : i32
        %add3A_161 = arith.constant 13 : i32
        %add3A_162 = arith.addi %mul3A_160, %add3A_161 : i32
        %mul3A_163 = arith.constant 16 : i32
        %mul3A_164 = arith.muli %add3A_162, %mul3A_163 : i32
        %get3A_165 = arith.constant 0 : i32
        %get3A_166 = arith.index_cast %get3A_165 : i32 to index
        %get3A_167 = arith.index_cast %mul3A_164 : i32 to index
        %get3A_168 = tpu.vector_load %arg4[%get3A_166, %get3A_167] {strides = array<i32>} : memref<2x10240xi32, #tpu.memory_space<vmem>>, vector<16xi32>,
        tpu.vector_store_idx %arg5[%get3A_168], %broadcast_in_dim3A_3 : memref<10240xf32, #tpu.memory_space<vmem>>[vector<16xi32>], vector<16xf32>,
        %mul3A_169 = arith.constant 20 : i32
        %mul3A_170 = arith.muli %scan3A_29, %mul3A_169 : i32
        %add3A_171 = arith.constant 14 : i32
        %add3A_172 = arith.addi %mul3A_170, %add3A_171 : i32
        %mul3A_173 = arith.constant 16 : i32
        %mul3A_174 = arith.muli %add3A_172, %mul3A_173 : i32
        %get3A_175 = arith.constant 0 : i32
        %get3A_176 = arith.index_cast %get3A_175 : i32 to index
        %get3A_177 = arith.index_cast %mul3A_174 : i32 to index
        %get3A_178 = tpu.vector_load %arg4[%get3A_176, %get3A_177] {strides = array<i32>} : memref<2x10240xi32, #tpu.memory_space<vmem>>, vector<16xi32>,
        tpu.vector_store_idx %arg5[%get3A_178], %broadcast_in_dim3A_3 : memref<10240xf32, #tpu.memory_space<vmem>>[vector<16xi32>], vector<16xf32>,
        %mul3A_179 = arith.constant 20 : i32
        %mul3A_180 = arith.muli %scan3A_29, %mul3A_179 : i32
        %add3A_181 = arith.constant 15 : i32
        %add3A_182 = arith.addi %mul3A_180, %add3A_181 : i32
        %mul3A_183 = arith.constant 16 : i32
        %mul3A_184 = arith.muli %add3A_182, %mul3A_183 : i32
        %get3A_185 = arith.constant 0 : i32
        %get3A_186 = arith.index_cast %get3A_185 : i32 to index
        %get3A_187 = arith.index_cast %mul3A_184 : i32 to index
        %get3A_188 = tpu.vector_load %arg4[%get3A_186, %get3A_187] {strides = array<i32>} : memref<2x10240xi32, #tpu.memory_space<vmem>>, vector<16xi32>,
        tpu.vector_store_idx %arg5[%get3A_188], %broadcast_in_dim3A_3 : memref<10240xf32, #tpu.memory_space<vmem>>[vector<16xi32>], vector<16xf32>,
        %mul3A_189 = arith.constant 20 : i32
        %mul3A_190 = arith.muli %scan3A_29, %mul3A_189 : i32
        %add3A_191 = arith.constant 16 : i32
        %add3A_192 = arith.addi %mul3A_190, %add3A_191 : i32
        %mul3A_193 = arith.constant 16 : i32
        %mul3A_194 = arith.muli %add3A_192, %mul3A_193 : i32
        %get3A_195 = arith.constant 0 : i32
        %get3A_196 = arith.index_cast %get3A_195 : i32 to index
        %get3A_197 = arith.index_cast %mul3A_194 : i32 to index
        %get3A_198 = tpu.vector_load %arg4[%get3A_196, %get3A_197] {strides = array<i32>} : memref<2x10240xi32, #tpu.memory_space<vmem>>, vector<16xi32>,
        tpu.vector_store_idx %arg5[%get3A_198], %broadcast_in_dim3A_3 : memref<10240xf32, #tpu.memory_space<vmem>>[vector<16xi32>], vector<16xf32>,
        %mul3A_199 = arith.constant 20 : i32
        %mul3A_200 = arith.muli %scan3A_29, %mul3A_199 : i32
        %add3A_201 = arith.constant 17 : i32
        %add3A_202 = arith.addi %mul3A_200, %add3A_201 : i32
        %mul3A_203 = arith.constant 16 : i32
        %mul3A_204 = arith.muli %add3A_202, %mul3A_203 : i32
        %get3A_205 = arith.constant 0 : i32
        %get3A_206 = arith.index_cast %get3A_205 : i32 to index
        %get3A_207 = arith.index_cast %mul3A_204 : i32 to index
        %get3A_208 = tpu.vector_load %arg4[%get3A_206, %get3A_207] {strides = array<i32>} : memref<2x10240xi32, #tpu.memory_space<vmem>>, vector<16xi32>,
        tpu.vector_store_idx %arg5[%get3A_208], %broadcast_in_dim3A_3 : memref<10240xf32, #tpu.memory_space<vmem>>[vector<16xi32>], vector<16xf32>,
        %mul3A_209 = arith.constant 20 : i32
        %mul3A_210 = arith.muli %scan3A_29, %mul3A_209 : i32
        %add3A_211 = arith.constant 18 : i32
        %add3A_212 = arith.addi %mul3A_210, %add3A_211 : i32
        %mul3A_213 = arith.constant 16 : i32
        %mul3A_214 = arith.muli %add3A_212, %mul3A_213 : i32
        %get3A_215 = arith.constant 0 : i32
        %get3A_216 = arith.index_cast %get3A_215 : i32 to index
        %get3A_217 = arith.index_cast %mul3A_214 : i32 to index
        %get3A_218 = tpu.vector_load %arg4[%get3A_216, %get3A_217] {strides = array<i32>} : memref<2x10240xi32, #tpu.memory_space<vmem>>, vector<16xi32>,
        tpu.vector_store_idx %arg5[%get3A_218], %broadcast_in_dim3A_3 : memref<10240xf32, #tpu.memory_space<vmem>>[vector<16xi32>], vector<16xf32>,
        %mul3A_219 = arith.constant 20 : i32
        %mul3A_220 = arith.muli %scan3A_29, %mul3A_219 : i32
        %add3A_221 = arith.constant 19 : i32
        %add3A_222 = arith.addi %mul3A_220, %add3A_221 : i32
        %mul3A_223 = arith.constant 16 : i32
        %mul3A_224 = arith.muli %add3A_222, %mul3A_223 : i32
        %get3A_225 = arith.constant 0 : i32
        %get3A_226 = arith.index_cast %get3A_225 : i32 to index
        %get3A_227 = arith.index_cast %mul3A_224 : i32 to index
        %get3A_228 = tpu.vector_load %arg4[%get3A_226, %get3A_227] {strides = array<i32>} : memref<2x10240xi32, #tpu.memory_space<vmem>>, vector<16xi32>,
        tpu.vector_store_idx %arg5[%get3A_228], %broadcast_in_dim3A_3 : memref<10240xf32, #tpu.memory_space<vmem>>[vector<16xi32>], vector<16xf32>,
      }
      %scan3A_28 = arith.constant 8 : i32
    } else {
    }
    "tpu.region"() ({
      %run_scoped3A = tpu.sem_alloc : memref<!tpu.dma_semaphore, #tpu.memory_space<semaphore_mem>>
      %dma_start3A = arith.constant 0 : i32
      %dma_start3A_23 = tpu.memref_slice %arg6[%arg1, %dma_start3A] : memref<16x10240xf32, #tpu.memory_space<vmem_shared>> -> memref<1x10240xf32, #tpu.memory_space<vmem_shared>>
      %dma_start3A_24 = tpu.memref_squeeze %dma_start3A_23 : memref<1x10240xf32, #tpu.memory_space<vmem_shared>> -> memref<10240xf32, #tpu.memory_space<vmem_shared>>
      %dma_start3A_25 = arith.constant 0 : i32
      %dma_start3A_26 = tpu.memref_slice %arg6[%arg1, %dma_start3A_25] : memref<16x10240xf32, #tpu.memory_space<vmem_shared>> -> memref<1x10240xf32, #tpu.memory_space<vmem_shared>>
      %dma_start3A_27 = tpu.memref_squeeze %dma_start3A_26 : memref<1x10240xf32, #tpu.memory_space<vmem_shared>> -> memref<10240xf32, #tpu.memory_space<vmem_shared>>
      tpu.enqueue_dma source(%arg5 : memref<10240xf32, #tpu.memory_space<vmem>>) target(%dma_start3A_27 : memref<10240xf32, #tpu.memory_space<vmem_shared>>) target_semaphore(%run_scoped3A : memref<!tpu.dma_semaphore, #tpu.memory_space<semaphore_mem>>)
      %dma_wait3A = arith.constant 0 : i32
      %dma_wait3A_28 = tpu.memref_slice %arg6[%arg1, %dma_wait3A] : memref<16x10240xf32, #tpu.memory_space<vmem_shared>> -> memref<1x10240xf32, #tpu.memory_space<vmem_shared>>
      %dma_wait3A_29 = tpu.memref_squeeze %dma_wait3A_28 : memref<1x10240xf32, #tpu.memory_space<vmem_shared>> -> memref<10240xf32, #tpu.memory_space<vmem_shared>>
      %dma_wait3A_30 = arith.constant 0 : i32
      %dma_wait3A_31 = tpu.memref_slice %arg6[%arg1, %dma_wait3A_30] : memref<16x10240xf32, #tpu.memory_space<vmem_shared>> -> memref<1x10240xf32, #tpu.memory_space<vmem_shared>>
      %dma_wait3A_32 = tpu.memref_squeeze %dma_wait3A_31 : memref<1x10240xf32, #tpu.memory_space<vmem_shared>> -> memref<10240xf32, #tpu.memory_space<vmem_shared>>
      tpu.wait_dma2 semaphore(%run_scoped3A : memref<!tpu.dma_semaphore, #tpu.memory_space<semaphore_mem>>) src(%arg5 : memref<10240xf32, #tpu.memory_space<vmem>>) dst(%dma_wait3A_32 : memref<10240xf32, #tpu.memory_space<vmem_shared>>)
      tpu.yield
    }) : () -> ()
    %barrier3A = arith.constant 0 : index
    tpu.barrier barrier_id(%barrier3A)
    %mul3A_15 = arith.constant 640 : i32
    %mul3A_16 = arith.muli %arg1, %mul3A_15 : i32
    "tpu.region"() ({
      %run_scoped3A = tpu.sem_alloc : memref<!tpu.dma_semaphore, #tpu.memory_space<semaphore_mem>>
      %dma_start3A = arith.constant 0 : i32
      %dma_start3A_23 = tpu.memref_slice %arg6[%dma_start3A, %mul3A_16] : memref<16x10240xf32, #tpu.memory_space<vmem_shared>> -> memref<16x640xf32, #tpu.memory_space<vmem_shared>>
      %dma_start3A_24 = arith.constant 0 : i32
      %dma_start3A_25 = tpu.memref_slice %arg6[%dma_start3A_24, %mul3A_16] : memref<16x10240xf32, #tpu.memory_space<vmem_shared>> -> memref<16x640xf32, #tpu.memory_space<vmem_shared>>
      tpu.enqueue_dma source(%dma_start3A_25 : memref<16x640xf32, #tpu.memory_space<vmem_shared>>) target(%arg7 : memref<16x640xf32, #tpu.memory_space<vmem>>) target_semaphore(%run_scoped3A : memref<!tpu.dma_semaphore, #tpu.memory_space<semaphore_mem>>)
      %dma_wait3A = arith.constant 0 : i32
      %dma_wait3A_26 = tpu.memref_slice %arg6[%dma_wait3A, %mul3A_16] : memref<16x10240xf32, #tpu.memory_space<vmem_shared>> -> memref<16x640xf32, #tpu.memory_space<vmem_shared>>
      %dma_wait3A_27 = arith.constant 0 : i32
      %dma_wait3A_28 = tpu.memref_slice %arg6[%dma_wait3A_27, %mul3A_16] : memref<16x10240xf32, #tpu.memory_space<vmem_shared>> -> memref<16x640xf32, #tpu.memory_space<vmem_shared>>
      tpu.wait_dma2 semaphore(%run_scoped3A : memref<!tpu.dma_semaphore, #tpu.memory_space<semaphore_mem>>) src(%dma_wait3A_28 : memref<16x640xf32, #tpu.memory_space<vmem_shared>>) dst(%arg7 : memref<16x640xf32, #tpu.memory_space<vmem>>)
      tpu.yield
    }) : () -> ()
    %scan3A_17 = arith.constant 0 : i32
    %scan3A_18 = arith.constant 0 : i32
    %scan3A_19 = arith.constant 40 : i32
    %scan3A_20 = arith.addi %scan3A_18, %scan3A_19 : i32
    %scan3A_21 = arith.constant 1 : i32
    scf.for %scan3A_23 = %scan3A_18 to %scan3A_20 step %scan3A_21  : i32 {
      %mul3A_24 = arith.constant 16 : i32
      %mul3A_25 = arith.muli %scan3A_23, %mul3A_24 : i32
      %get3A = arith.constant 0 : i32
      %get3A_26 = arith.index_cast %get3A : i32 to index
      %get3A_27 = arith.index_cast %mul3A_25 : i32 to index
      %get3A_28 = tpu.vector_load %arg7[%get3A_26, %get3A_27] {strides = array<i32>} : memref<16x640xf32, #tpu.memory_space<vmem>>, vector<16xf32>,
      %get3A_29 = arith.constant 1 : i32
      %get3A_30 = arith.index_cast %get3A_29 : i32 to index
      %get3A_31 = arith.index_cast %mul3A_25 : i32 to index
      %get3A_32 = tpu.vector_load %arg7[%get3A_30, %get3A_31] {strides = array<i32>} : memref<16x640xf32, #tpu.memory_space<vmem>>, vector<16xf32>,
      %add3A_33 = arith.addf %get3A_28, %get3A_32 : vector<16xf32>
      %get3A_34 = arith.constant 2 : i32
      %get3A_35 = arith.index_cast %get3A_34 : i32 to index
      %get3A_36 = arith.index_cast %mul3A_25 : i32 to index
      %get3A_37 = tpu.vector_load %arg7[%get3A_35, %get3A_36] {strides = array<i32>} : memref<16x640xf32, #tpu.memory_space<vmem>>, vector<16xf32>,
      %add3A_38 = arith.addf %add3A_33, %get3A_37 : vector<16xf32>
      %get3A_39 = arith.constant 3 : i32
      %get3A_40 = arith.index_cast %get3A_39 : i32 to index
      %get3A_41 = arith.index_cast %mul3A_25 : i32 to index
      %get3A_42 = tpu.vector_load %arg7[%get3A_40, %get3A_41] {strides = array<i32>} : memref<16x640xf32, #tpu.memory_space<vmem>>, vector<16xf32>,
      %add3A_43 = arith.addf %add3A_38, %get3A_42 : vector<16xf32>
      %get3A_44 = arith.constant 4 : i32
      %get3A_45 = arith.index_cast %get3A_44 : i32 to index
      %get3A_46 = arith.index_cast %mul3A_25 : i32 to index
      %get3A_47 = tpu.vector_load %arg7[%get3A_45, %get3A_46] {strides = array<i32>} : memref<16x640xf32, #tpu.memory_space<vmem>>, vector<16xf32>,
      %add3A_48 = arith.addf %add3A_43, %get3A_47 : vector<16xf32>
      %get3A_49 = arith.constant 5 : i32
      %get3A_50 = arith.index_cast %get3A_49 : i32 to index
      %get3A_51 = arith.index_cast %mul3A_25 : i32 to index
      %get3A_52 = tpu.vector_load %arg7[%get3A_50, %get3A_51] {strides = array<i32>} : memref<16x640xf32, #tpu.memory_space<vmem>>, vector<16xf32>,
      %add3A_53 = arith.addf %add3A_48, %get3A_52 : vector<16xf32>
      %get3A_54 = arith.constant 6 : i32
      %get3A_55 = arith.index_cast %get3A_54 : i32 to index
      %get3A_56 = arith.index_cast %mul3A_25 : i32 to index
      %get3A_57 = tpu.vector_load %arg7[%get3A_55, %get3A_56] {strides = array<i32>} : memref<16x640xf32, #tpu.memory_space<vmem>>, vector<16xf32>,
      %add3A_58 = arith.addf %add3A_53, %get3A_57 : vector<16xf32>
      %get3A_59 = arith.constant 7 : i32
      %get3A_60 = arith.index_cast %get3A_59 : i32 to index
      %get3A_61 = arith.index_cast %mul3A_25 : i32 to index
      %get3A_62 = tpu.vector_load %arg7[%get3A_60, %get3A_61] {strides = array<i32>} : memref<16x640xf32, #tpu.memory_space<vmem>>, vector<16xf32>,
      %add3A_63 = arith.addf %add3A_58, %get3A_62 : vector<16xf32>
      %get3A_64 = arith.constant 8 : i32
      %get3A_65 = arith.index_cast %get3A_64 : i32 to index
      %get3A_66 = arith.index_cast %mul3A_25 : i32 to index
      %get3A_67 = tpu.vector_load %arg7[%get3A_65, %get3A_66] {strides = array<i32>} : memref<16x640xf32, #tpu.memory_space<vmem>>, vector<16xf32>,
      %add3A_68 = arith.addf %add3A_63, %get3A_67 : vector<16xf32>
      %get3A_69 = arith.constant 9 : i32
      %get3A_70 = arith.index_cast %get3A_69 : i32 to index
      %get3A_71 = arith.index_cast %mul3A_25 : i32 to index
      %get3A_72 = tpu.vector_load %arg7[%get3A_70, %get3A_71] {strides = array<i32>} : memref<16x640xf32, #tpu.memory_space<vmem>>, vector<16xf32>,
      %add3A_73 = arith.addf %add3A_68, %get3A_72 : vector<16xf32>
      %get3A_74 = arith.constant 10 : i32
      %get3A_75 = arith.index_cast %get3A_74 : i32 to index
      %get3A_76 = arith.index_cast %mul3A_25 : i32 to index
      %get3A_77 = tpu.vector_load %arg7[%get3A_75, %get3A_76] {strides = array<i32>} : memref<16x640xf32, #tpu.memory_space<vmem>>, vector<16xf32>,
      %add3A_78 = arith.addf %add3A_73, %get3A_77 : vector<16xf32>
      %get3A_79 = arith.constant 11 : i32
      %get3A_80 = arith.index_cast %get3A_79 : i32 to index
      %get3A_81 = arith.index_cast %mul3A_25 : i32 to index
      %get3A_82 = tpu.vector_load %arg7[%get3A_80, %get3A_81] {strides = array<i32>} : memref<16x640xf32, #tpu.memory_space<vmem>>, vector<16xf32>,
      %add3A_83 = arith.addf %add3A_78, %get3A_82 : vector<16xf32>
      %get3A_84 = arith.constant 12 : i32
      %get3A_85 = arith.index_cast %get3A_84 : i32 to index
      %get3A_86 = arith.index_cast %mul3A_25 : i32 to index
      %get3A_87 = tpu.vector_load %arg7[%get3A_85, %get3A_86] {strides = array<i32>} : memref<16x640xf32, #tpu.memory_space<vmem>>, vector<16xf32>,
      %add3A_88 = arith.addf %add3A_83, %get3A_87 : vector<16xf32>
      %get3A_89 = arith.constant 13 : i32
      %get3A_90 = arith.index_cast %get3A_89 : i32 to index
      %get3A_91 = arith.index_cast %mul3A_25 : i32 to index
      %get3A_92 = tpu.vector_load %arg7[%get3A_90, %get3A_91] {strides = array<i32>} : memref<16x640xf32, #tpu.memory_space<vmem>>, vector<16xf32>,
      %add3A_93 = arith.addf %add3A_88, %get3A_92 : vector<16xf32>
      %get3A_94 = arith.constant 14 : i32
      %get3A_95 = arith.index_cast %get3A_94 : i32 to index
      %get3A_96 = arith.index_cast %mul3A_25 : i32 to index
      %get3A_97 = tpu.vector_load %arg7[%get3A_95, %get3A_96] {strides = array<i32>} : memref<16x640xf32, #tpu.memory_space<vmem>>, vector<16xf32>,
      %add3A_98 = arith.addf %add3A_93, %get3A_97 : vector<16xf32>
      %get3A_99 = arith.constant 15 : i32
      %get3A_100 = arith.index_cast %get3A_99 : i32 to index
      %get3A_101 = arith.index_cast %mul3A_25 : i32 to index
      %get3A_102 = tpu.vector_load %arg7[%get3A_100, %get3A_101] {strides = array<i32>} : memref<16x640xf32, #tpu.memory_space<vmem>>, vector<16xf32>,
      %add3A_103 = arith.addf %add3A_98, %get3A_102 : vector<16xf32>
      %swap3A = arith.index_cast %mul3A_25 : i32 to index
      %swap3A_104 = tpu.vector_load %arg8[%swap3A] {strides = array<i32>} : memref<640xf32, #tpu.memory_space<vmem>>, vector<16xf32>,
      tpu.vector_store %arg8[%swap3A], %add3A_103 {strides = array<i32>} : memref<640xf32, #tpu.memory_space<vmem>>, vector<16xf32>,
    }
    %scan3A_22 = arith.constant 40 : i32
    "tpu.region"() ({
      %run_scoped3A = tpu.sem_alloc : memref<!tpu.dma_semaphore, #tpu.memory_space<semaphore_mem>>
      %dma_start3A = tpu.memref_slice %arg3[%arg0, %mul3A_16] : memref<2x10240xf32, #tpu.memory_space<hbm>> -> memref<1x640xf32, #tpu.memory_space<hbm>>
      %dma_start3A_23 = tpu.memref_squeeze %dma_start3A : memref<1x640xf32, #tpu.memory_space<hbm>> -> memref<640xf32, #tpu.memory_space<hbm>>
      %dma_start3A_24 = tpu.memref_slice %arg3[%arg0, %mul3A_16] : memref<2x10240xf32, #tpu.memory_space<hbm>> -> memref<1x640xf32, #tpu.memory_space<hbm>>
      %dma_start3A_25 = tpu.memref_squeeze %dma_start3A_24 : memref<1x640xf32, #tpu.memory_space<hbm>> -> memref<640xf32, #tpu.memory_space<hbm>>
      tpu.enqueue_dma source(%arg8 : memref<640xf32, #tpu.memory_space<vmem>>) target(%dma_start3A_25 : memref<640xf32, #tpu.memory_space<hbm>>) target_semaphore(%run_scoped3A : memref<!tpu.dma_semaphore, #tpu.memory_space<semaphore_mem>>)
      %dma_wait3A = tpu.memref_slice %arg3[%arg0, %mul3A_16] : memref<2x10240xf32, #tpu.memory_space<hbm>> -> memref<1x640xf32, #tpu.memory_space<hbm>>
      %dma_wait3A_26 = tpu.memref_squeeze %dma_wait3A : memref<1x640xf32, #tpu.memory_space<hbm>> -> memref<640xf32, #tpu.memory_space<hbm>>
      %dma_wait3A_27 = tpu.memref_slice %arg3[%arg0, %mul3A_16] : memref<2x10240xf32, #tpu.memory_space<hbm>> -> memref<1x640xf32, #tpu.memory_space<hbm>>
      %dma_wait3A_28 = tpu.memref_squeeze %dma_wait3A_27 : memref<1x640xf32, #tpu.memory_space<hbm>> -> memref<640xf32, #tpu.memory_space<hbm>>
      tpu.wait_dma2 semaphore(%run_scoped3A : memref<!tpu.dma_semaphore, #tpu.memory_space<semaphore_mem>>) src(%arg8 : memref<640xf32, #tpu.memory_space<vmem>>) dst(%dma_wait3A_28 : memref<640xf32, #tpu.memory_space<hbm>>)
      tpu.yield
    }) : () -> ()
    return
  }
}

module attributes {stable_mosaic.version = 14 : i64} {
  func.func @_head_kernel(%arg0: i32, %arg1: memref<16x2560xf32, #tpu.memory_space<vmem>>, %arg2: memref<2x10240xf32, #tpu.memory_space<vmem>>, %arg3: memref<16xf32, #tpu.memory_space<vmem>>, %arg4: memref<16x16xf32, #tpu.memory_space<vmem>>, %arg5: memref<16x8xf32, #tpu.memory_space<vmem>>, %arg6: memref<8xf32, #tpu.memory_space<vmem>>, %arg7: memref<8x1xf32, #tpu.memory_space<vmem>>, %arg8: memref<1xf32, #tpu.memory_space<vmem>>, %arg9: memref<1x2560xf32, #tpu.memory_space<vmem>>) attributes {dimension_semantics = [#tpu.dimension_semantics<arbitrary>], iteration_bounds = array<i64: 4>, scalar_prefetch = 0 : i64, scratch_operands = 0 : i64, tpu.core_type = #tpu.core_type<tc>, window_params = [{transform_indices = @transform_0, window_bounds = array<i64: 16, 2560>}, {pipeline_mode = #tpu.pipeline_mode<synchronous>, transform_indices = @transform_1, window_bounds = array<i64: 2, 10240>}, {pipeline_mode = #tpu.pipeline_mode<synchronous>, transform_indices = @transform_2, window_bounds = array<i64: 16>}, {pipeline_mode = #tpu.pipeline_mode<synchronous>, transform_indices = @transform_3, window_bounds = array<i64: 16, 16>}, {pipeline_mode = #tpu.pipeline_mode<synchronous>, transform_indices = @transform_4, window_bounds = array<i64: 16, 8>}, {pipeline_mode = #tpu.pipeline_mode<synchronous>, transform_indices = @transform_5, window_bounds = array<i64: 8>}, {pipeline_mode = #tpu.pipeline_mode<synchronous>, transform_indices = @transform_6, window_bounds = array<i64: 8, 1>}, {pipeline_mode = #tpu.pipeline_mode<synchronous>, transform_indices = @transform_7, window_bounds = array<i64: 1>}, {transform_indices = @transform_8, window_bounds = array<i64: 1, 2560>}]} {
    %mul3A = arith.constant 2560 : i32
    %mul3A_0 = arith.muli %arg0, %mul3A : i32
    %multiple_of3A = tpu.assume_multiple %mul3A_0, 128 : i32
    %get3A = arith.constant 0 : index
    %get3A_1 = vector.load %arg3[%get3A] : memref<16xf32, #tpu.memory_space<vmem>>, vector<16xf32>
    %reshape3A = vector.shape_cast %get3A_1 : vector<16xf32> to vector<1x16xf32>
    %max3A = arith.constant 0.000000e+00 : f32
    %max3A_2 = vector.broadcast %max3A : f32 to vector<1x16xf32>
    %max3A_3 = arith.maximumf %reshape3A, %max3A_2 : vector<1x16xf32>
    %transpose3A = tpu.transpose %max3A_3, [1, 0] : vector<1x16xf32> -> vector<16x1xf32>
    %get3A_4 = arith.constant 0 : index
    %get3A_5 = arith.constant 0 : index
    %get3A_6 = vector.load %arg4[%get3A_4, %get3A_5] : memref<16x16xf32, #tpu.memory_space<vmem>>, vector<16x16xf32>
    %mul3A_7 = vector.broadcast %transpose3A : vector<16x1xf32> to vector<16x16xf32>
    %mul3A_8 = arith.mulf %mul3A_7, %get3A_6 : vector<16x16xf32>
    %reduce_sum3A = arith.constant dense<0.000000e+00> : vector<16xf32>
    %reduce_sum3A_9 = vector.multi_reduction <add>, %mul3A_8, %reduce_sum3A [0] : vector<16x16xf32> to vector<16xf32>
    %broadcast_in_dim3A = vector.shape_cast %reduce_sum3A_9 : vector<16xf32> to vector<1x16xf32>
    %get3A_10 = arith.constant 0 : index
    %get3A_11 = arith.index_cast %multiple_of3A : i32 to index
    %get3A_12 = vector.load %arg2[%get3A_10, %get3A_11] : memref<2x10240xf32, #tpu.memory_space<vmem>>, vector<1x2560xf32>
    %get3A_13 = arith.constant 1 : index
    %get3A_14 = arith.index_cast %multiple_of3A : i32 to index
    %get3A_15 = vector.load %arg2[%get3A_13, %get3A_14] : memref<2x10240xf32, #tpu.memory_space<vmem>>, vector<1x2560xf32>
    %add3A = arith.addf %get3A_12, %get3A_15 : vector<1x2560xf32>
    %gt3A = arith.constant 0.000000e+00 : f32
    %gt3A_16 = vector.broadcast %gt3A : f32 to vector<1x2560xf32>
    %gt3A_17 = arith.cmpf ogt, %add3A, %gt3A_16 : vector<1x2560xf32>
    %get3A_18 = arith.constant 0 : index
    %get3A_19 = arith.constant 0 : index
    %get3A_20 = vector.load %arg1[%get3A_18, %get3A_19] : memref<16x2560xf32, #tpu.memory_space<vmem>>, vector<16x2560xf32>
    %transpose3A_21 = tpu.transpose %broadcast_in_dim3A, [1, 0] : vector<1x16xf32> -> vector<16x1xf32>
    %jit3A = arith.constant 0.000000e+00 : f32
    %broadcast_in_dim3A_22 = vector.shape_cast %gt3A_17 : vector<1x2560xi1> to vector<1x2560xi1>
    %broadcast_in_dim3A_23 = vector.broadcast %broadcast_in_dim3A_22 : vector<1x2560xi1> to vector<16x2560xi1>
    %broadcast_in_dim3A_24 = vector.shape_cast %transpose3A_21 : vector<16x1xf32> to vector<16x1xf32>
    %broadcast_in_dim3A_25 = vector.broadcast %broadcast_in_dim3A_24 : vector<16x1xf32> to vector<16x2560xf32>
    %broadcast_in_dim3A_26 = vector.broadcast %jit3A : f32 to vector<16x2560xf32>
    %select_n3A = arith.select %broadcast_in_dim3A_23, %broadcast_in_dim3A_25, %broadcast_in_dim3A_26 : vector<16x2560xi1>, vector<16x2560xf32>
    %add3A_27 = arith.addf %get3A_20, %select_n3A : vector<16x2560xf32>
    %max3A_28 = arith.constant 0.000000e+00 : f32
    %max3A_29 = vector.broadcast %max3A_28 : f32 to vector<16x2560xf32>
    %max3A_30 = arith.maximumf %add3A_27, %max3A_29 : vector<16x2560xf32>
    %get3A_31 = arith.constant 0 : index
    %get3A_32 = arith.constant 0 : index
    %get3A_33 = vector.load %arg5[%get3A_31, %get3A_32] : memref<16x8xf32, #tpu.memory_space<vmem>>, vector<16x8xf32>
    %transpose3A_34 = tpu.transpose %get3A_33, [1, 0] : vector<16x8xf32> -> vector<8x16xf32>
    %dot_general3A = arith.constant dense<0.000000e+00> : vector<8x2560xf32>
    %dot_general3A_35 = tpu.matmul %transpose3A_34, %max3A_30, %dot_general3A {dimension_numbers = #tpu.dot_dimension_numbers<[1], [0], [0], [1], [0, 0, 1, 1], [], []>, transpose_lhs_hint = false} : vector<8x16xf32>, vector<16x2560xf32>, vector<8x2560xf32> -> vector<8x2560xf32>
    %get3A_36 = arith.constant 0 : index
    %get3A_37 = vector.load %arg6[%get3A_36] : memref<8xf32, #tpu.memory_space<vmem>>, vector<8xf32>
    %reshape3A_38 = vector.shape_cast %get3A_37 : vector<8xf32> to vector<1x8xf32>
    %transpose3A_39 = tpu.transpose %reshape3A_38, [1, 0] : vector<1x8xf32> -> vector<8x1xf32>
    %add3A_40 = vector.broadcast %transpose3A_39 : vector<8x1xf32> to vector<8x2560xf32>
    %add3A_41 = arith.addf %dot_general3A_35, %add3A_40 : vector<8x2560xf32>
    %max3A_42 = arith.constant 0.000000e+00 : f32
    %max3A_43 = vector.broadcast %max3A_42 : f32 to vector<8x2560xf32>
    %max3A_44 = arith.maximumf %add3A_41, %max3A_43 : vector<8x2560xf32>
    %get3A_45 = arith.constant 0 : index
    %get3A_46 = arith.constant 0 : index
    %get3A_47 = vector.load %arg7[%get3A_45, %get3A_46] : memref<8x1xf32, #tpu.memory_space<vmem>>, vector<8x1xf32>
    %transpose3A_48 = tpu.transpose %get3A_47, [1, 0] : vector<8x1xf32> -> vector<1x8xf32>
    %dot_general3A_49 = arith.constant dense<0.000000e+00> : vector<1x2560xf32>
    %dot_general3A_50 = tpu.matmul %transpose3A_48, %max3A_44, %dot_general3A_49 {dimension_numbers = #tpu.dot_dimension_numbers<[1], [0], [0], [1], [0, 0, 1, 1], [], []>, transpose_lhs_hint = false} : vector<1x8xf32>, vector<8x2560xf32>, vector<1x2560xf32> -> vector<1x2560xf32>
    %get3A_51 = arith.constant 0 : index
    %get3A_52 = vector.load %arg8[%get3A_51] : memref<1xf32, #tpu.memory_space<vmem>>, vector<1xf32>
    %reshape3A_53 = vector.shape_cast %get3A_52 : vector<1xf32> to vector<1x1xf32>
    %add3A_54 = vector.broadcast %reshape3A_53 : vector<1x1xf32> to vector<1x2560xf32>
    %add3A_55 = arith.addf %dot_general3A_50, %add3A_54 : vector<1x2560xf32>
    %swap3A = arith.constant 0 : index
    %swap3A_56 = arith.constant 0 : index
    %swap3A_57 = vector.load %arg9[%swap3A, %swap3A_56] : memref<1x2560xf32, #tpu.memory_space<vmem>>, vector<1x2560xf32>
    tpu.vector_store %arg9[%swap3A, %swap3A_56], %add3A_55 {strides = array<i32>} : memref<1x2560xf32, #tpu.memory_space<vmem>>, vector<1x2560xf32>,
    return
  }
  func.func @transform_0(%arg0: i32) -> (i32, i32) {
    %c0_i32 = arith.constant 0 : i32
    %c0_i32_0 = arith.constant 0 : i32
    return %c0_i32, %arg0 : i32, i32
  }
  func.func @transform_1(%arg0: i32) -> (i32, i32) {
    %c0_i32 = arith.constant 0 : i32
    %c0_i32_0 = arith.constant 0 : i32
    %c0_i32_1 = arith.constant 0 : i32
    return %c0_i32, %c0_i32_0 : i32, i32
  }
  func.func @transform_2(%arg0: i32) -> i32 {
    %c0_i32 = arith.constant 0 : i32
    %c0_i32_0 = arith.constant 0 : i32
    return %c0_i32 : i32
  }
  func.func @transform_3(%arg0: i32) -> (i32, i32) {
    %c0_i32 = arith.constant 0 : i32
    %c0_i32_0 = arith.constant 0 : i32
    %c0_i32_1 = arith.constant 0 : i32
    return %c0_i32, %c0_i32_0 : i32, i32
  }
  func.func @transform_4(%arg0: i32) -> (i32, i32) {
    %c0_i32 = arith.constant 0 : i32
    %c0_i32_0 = arith.constant 0 : i32
    %c0_i32_1 = arith.constant 0 : i32
    return %c0_i32, %c0_i32_0 : i32, i32
  }
  func.func @transform_5(%arg0: i32) -> i32 {
    %c0_i32 = arith.constant 0 : i32
    %c0_i32_0 = arith.constant 0 : i32
    return %c0_i32 : i32
  }
  func.func @transform_6(%arg0: i32) -> (i32, i32) {
    %c0_i32 = arith.constant 0 : i32
    %c0_i32_0 = arith.constant 0 : i32
    %c0_i32_1 = arith.constant 0 : i32
    return %c0_i32, %c0_i32_0 : i32, i32
  }
  func.func @transform_7(%arg0: i32) -> i32 {
    %c0_i32 = arith.constant 0 : i32
    %c0_i32_0 = arith.constant 0 : i32
    return %c0_i32 : i32
  }
  func.func @transform_8(%arg0: i32) -> (i32, i32) {
    %c0_i32 = arith.constant 0 : i32
    %c0_i32_0 = arith.constant 0 : i32
    return %c0_i32, %arg0 : i32, i32
  }
}

module attributes {stable_mosaic.version = 14 : i64} {
  func.func @_enc_kernel(%arg0: i32, %arg1: memref<2560x128xf32, #tpu.memory_space<vmem>>, %arg2: memref<128x16xf32, #tpu.memory_space<vmem>>, %arg3: memref<16xf32, #tpu.memory_space<vmem>>, %arg4: memref<16x16xf32, #tpu.memory_space<vmem>>, %arg5: memref<16xf32, #tpu.memory_space<vmem>>, %arg6: memref<16x2560xf32, #tpu.memory_space<vmem>>) attributes {dimension_semantics = [#tpu.dimension_semantics<arbitrary>], iteration_bounds = array<i64: 4>, scalar_prefetch = 0 : i64, scratch_operands = 0 : i64, tpu.core_type = #tpu.core_type<tc>, window_params = [{transform_indices = @transform_0, window_bounds = array<i64: 2560, 128>}, {pipeline_mode = #tpu.pipeline_mode<synchronous>, transform_indices = @transform_1, window_bounds = array<i64: 128, 16>}, {pipeline_mode = #tpu.pipeline_mode<synchronous>, transform_indices = @transform_2, window_bounds = array<i64: 16>}, {pipeline_mode = #tpu.pipeline_mode<synchronous>, transform_indices = @transform_3, window_bounds = array<i64: 16, 16>}, {pipeline_mode = #tpu.pipeline_mode<synchronous>, transform_indices = @transform_4, window_bounds = array<i64: 16>}, {transform_indices = @transform_5, window_bounds = array<i64: 16, 2560>}]} {
    %get3A = arith.constant 0 : index
    %get3A_0 = arith.constant 0 : index
    %get3A_1 = vector.load %arg1[%get3A, %get3A_0] : memref<2560x128xf32, #tpu.memory_space<vmem>>, vector<2560x128xf32>
    %get3A_2 = arith.constant 0 : index
    %get3A_3 = arith.constant 0 : index
    %get3A_4 = vector.load %arg2[%get3A_2, %get3A_3] : memref<128x16xf32, #tpu.memory_space<vmem>>, vector<128x16xf32>
    %dot_general3A = arith.constant dense<0.000000e+00> : vector<2560x16xf32>
    %dot_general3A_5 = tpu.matmul %get3A_1, %get3A_4, %dot_general3A {dimension_numbers = #tpu.dot_dimension_numbers<[1], [0], [0], [1], [0, 0, 1, 1], [], []>, transpose_lhs_hint = false} : vector<2560x128xf32>, vector<128x16xf32>, vector<2560x16xf32> -> vector<2560x16xf32>
    %get3A_6 = arith.constant 0 : index
    %get3A_7 = vector.load %arg3[%get3A_6] : memref<16xf32, #tpu.memory_space<vmem>>, vector<16xf32>
    %reshape3A = vector.shape_cast %get3A_7 : vector<16xf32> to vector<1x16xf32>
    %add3A = vector.broadcast %reshape3A : vector<1x16xf32> to vector<2560x16xf32>
    %add3A_8 = arith.addf %dot_general3A_5, %add3A : vector<2560x16xf32>
    %max3A = arith.constant 0.000000e+00 : f32
    %max3A_9 = vector.broadcast %max3A : f32 to vector<2560x16xf32>
    %max3A_10 = arith.maximumf %add3A_8, %max3A_9 : vector<2560x16xf32>
    %get3A_11 = arith.constant 0 : index
    %get3A_12 = arith.constant 0 : index
    %get3A_13 = vector.load %arg4[%get3A_11, %get3A_12] : memref<16x16xf32, #tpu.memory_space<vmem>>, vector<16x16xf32>
    %dot_general3A_14 = arith.constant dense<0.000000e+00> : vector<2560x16xf32>
    %dot_general3A_15 = tpu.matmul %max3A_10, %get3A_13, %dot_general3A_14 {dimension_numbers = #tpu.dot_dimension_numbers<[1], [0], [0], [1], [0, 0, 1, 1], [], []>, transpose_lhs_hint = false} : vector<2560x16xf32>, vector<16x16xf32>, vector<2560x16xf32> -> vector<2560x16xf32>
    %get3A_16 = arith.constant 0 : index
    %get3A_17 = vector.load %arg5[%get3A_16] : memref<16xf32, #tpu.memory_space<vmem>>, vector<16xf32>
    %reshape3A_18 = vector.shape_cast %get3A_17 : vector<16xf32> to vector<1x16xf32>
    %add3A_19 = vector.broadcast %reshape3A_18 : vector<1x16xf32> to vector<2560x16xf32>
    %add3A_20 = arith.addf %dot_general3A_15, %add3A_19 : vector<2560x16xf32>
    %transpose3A = tpu.transpose %add3A_20, [1, 0] : vector<2560x16xf32> -> vector<16x2560xf32>
    %swap3A = arith.constant 0 : index
    %swap3A_21 = arith.constant 0 : index
    %swap3A_22 = vector.load %arg6[%swap3A, %swap3A_21] : memref<16x2560xf32, #tpu.memory_space<vmem>>, vector<16x2560xf32>
    tpu.vector_store %arg6[%swap3A, %swap3A_21], %transpose3A {strides = array<i32>} : memref<16x2560xf32, #tpu.memory_space<vmem>>, vector<16x2560xf32>,
    return
  }
  func.func @transform_0(%arg0: i32) -> (i32, i32) {
    %c0_i32 = arith.constant 0 : i32
    %c0_i32_0 = arith.constant 0 : i32
    return %arg0, %c0_i32 : i32, i32
  }
  func.func @transform_1(%arg0: i32) -> (i32, i32) {
    %c0_i32 = arith.constant 0 : i32
    %c0_i32_0 = arith.constant 0 : i32
    %c0_i32_1 = arith.constant 0 : i32
    return %c0_i32, %c0_i32_0 : i32, i32
  }
  func.func @transform_2(%arg0: i32) -> i32 {
    %c0_i32 = arith.constant 0 : i32
    %c0_i32_0 = arith.constant 0 : i32
    return %c0_i32 : i32
  }
  func.func @transform_3(%arg0: i32) -> (i32, i32) {
    %c0_i32 = arith.constant 0 : i32
    %c0_i32_0 = arith.constant 0 : i32
    %c0_i32_1 = arith.constant 0 : i32
    return %c0_i32, %c0_i32_0 : i32, i32
  }
  func.func @transform_4(%arg0: i32) -> i32 {
    %c0_i32 = arith.constant 0 : i32
    %c0_i32_0 = arith.constant 0 : i32
    return %c0_i32 : i32
  }
  func.func @transform_5(%arg0: i32) -> (i32, i32) {
    %c0_i32 = arith.constant 0 : i32
    %c0_i32_0 = arith.constant 0 : i32
    return %c0_i32, %arg0 : i32, i32
  }
}

</mosaic_0001>

<sc_bundles>
// kernel: kernel.5.cloned.1.call-start
scs
__scs_entry_jumppad:
0x0: {  	(pc) =	sbr.rel $0x88, $3  }
0x1: {  	(tag) =	ssettag $0x0;
	lr =	simm.s32 $0x1  }
0x2: {  	[smem:$0x3F95] =	sst lr;
	_ =	strace $0xD0000000  }
0x3: {  	_ = 	snop  }
0x4: {  	_ = 	snop  }
0x5: {  	_ = 	snop  }
0x6: {  	_ = 	snop  }
0x7: {  	_ = 	snop  }
__scs_overlays_trampoline_lowered:
0x8: {  	[smem:$0x3FA4] =	sst s0  }
0x9: {  	[smem:$0x3FA5] =	sst s1  }
0xa: {  	[smem:$0x3FA6] =	sst s2  }
0xb: {  	[smem:$0x3FA7] =	sst s3  }
0xc: {  	[smem:$0x3FA8] =	sst s4  }
0xd: {  	[smem:$0x3FA9] =	sst s5  }
0xe: {  	[smem:$0x3FAA] =	sst s6  }
0xf: {  	[smem:$0x3FAB] =	sst s7  }
0x10: {  	[smem:$0x3FAC] =	sst s8  }
0x11: {  	[smem:$0x3FAD] =	sst s9;
	s0 =	simm.s32 @!p0 $0x0  }
0x12: {  	s1 =	sld [smem:$0x3F93];
	s0 =	simm.s32 @p0 $0x1  }
0x13: {  	[smem:$0x3FAE] =	sst s0;
	s0 =	simm.s32 @!p1 $0x0  }
0x14: {  	s2 =	sld [smem:$0x3F92];
	s0 =	simm.s32 @p1 $0x1  }
0x15: {  	[smem:$0x3FAF] =	sst s0;
	s0 =	simm.s32 @!p2 $0x0  }
0x16: {  	s3 =	sld [smem:$0x3FDB];
	s0 =	simm.s32 @p2 $0x1  }
0x17: {  	s4 =	simm.s32 $0x1BF5;
	[smem:$0x3FB1] =	sst s0  }
0x18: {  	s0 =	sld [smem:$0x3F94];
	_ =	swait.ge [sflag:s4], $0x0  }
0x19: {  	s7 =	sld [smem:$0x3F95]  }
0x1a: {  	s8 =	sadd.s32 $0xFFFFE003, lr  }
0x1b: {  	s9 =	sadd.s32 $0xFFFFFEF7, lr;
	s5 =	simm.s32 $0xFFFFFFFF;
	p2 =	slt.u32 s8, $0xFFFFF086  }
0x1c: {  	p1 =	slt.u32 s9, $0xF7A;
	s5 =	simm.s32 @!p2 $0x0  }
0x1d: {  	s5 =	simm.s32 @p1 $0x1;
	p0 =	seq.s32 s7, s2  }
0x1e: {  	s7 =	smul.u32 @!p0 $0xF7A, s2;
	p2 =	seq.s32 @!p0 s5, $0x0  }
0x1f: {  	s9 =	smul.u32 $0xF7A, s1;
	s8 =	simm.s32 @!p0 $0x1BF5;
	p2 =	por !p2, p0  }
0x20: {  	[sflag:s8] =	ssyncset.s32 @!p0 $0xFFFFF086;
	s6 =	sadd.s32 @!p0 s3, s7;
	s7 =	simm.s32 @!p0 $0x108  }
0x21: {  	s3 =	sadd.s32 s3, s9;
	s6 =	sadd.s32 @!p0 $0x88, s6;
	s7 =	simm.s32 @p2 $0x1082  }
0x22: {  	[simem:s7], [sflag:s8] =	dma.local @!p0 [hbm:s6], $0xF7A  }
0x23: {  	s9 =	sor.u32 $0xD0000000, s2;
	s6 =	simm.s32 $0x108;
	_ =	swait.ge @!p0 [sflag:s8], $0x0  }
0x24: {  	s3 =	sadd.s32 $0x88, s3;
	s6 =	simm.s32 @!p1 $0x1082;
	[sflag:s4] =	ssyncset.s32 $0xFFFFF086  }
0x25: {  	[simem:s6], [sflag:s4] =	dma.local [hbm:s3], $0xF7A  }
0x26: {  	[smem:$0x3F95] =	sst s1;
	(tag) =	ssettag s2;
	_ =	strace s9  }
0x27: {  	s1 =	sld [smem:$0x3FA5]  }
0x28: {  	s2 =	sld [smem:$0x3FA6]  }
0x29: {  	s4 =	sld [smem:$0x3FA8]  }
0x2a: {  	p0 =	seq.s32 s5, $0x0;
	s5 =	sld [smem:$0x3FA9]  }
0x2b: {  	s6 =	sld [smem:$0x3FAA]  }
0x2c: {  	s7 =	sld [smem:$0x3FAB]  }
0x2d: {  	s3 =	simm.s32 $0x108;
	s8 =	sld [smem:$0x3FAC]  }
0x2e: {  	s3 =	simm.s32 @!p0 $0x1082;
	s9 =	sld [smem:$0x3FAD]  }
0x2f: {  	lr =	sadd.s32 s0, s3;
	s0 =	sld [smem:$0x3FA4]  }
0x30: {  	s3 =	sld [smem:$0x3FA7]  }
0x31: {  	[smem:$0x3FB0] =	sst s10  }
0x32: {  	s10 =	sld [smem:$0x3FAE];
	_ =	sdelay $0x3  }
0x33: {  	p0 =	seq.s32 s10, $0x1;
	s10 =	sld [smem:$0x3FB0];
	_ =	sdelay $0x3  }
0x34: {  	[smem:$0x3FB0] =	sst s10  }
0x35: {  	s10 =	sld [smem:$0x3FAF];
	_ =	sdelay $0x3  }
0x36: {  	p1 =	seq.s32 s10, $0x1;
	s10 =	sld [smem:$0x3FB0];
	_ =	sdelay $0x3  }
0x37: {  	[smem:$0x3FB0] =	sst s10  }
0x38: {  	s10 =	sld [smem:$0x3FB1]  }
0x39: {  	_ = 	snop;
	(pc) =	sbr.ind lr, $3  }
0x3a: {  	_ = 	snop  }
0x3b: {  	_ = 	snop  }
0x3c: {  	p2 =	seq.s32 s10, $0x1;
	s10 =	sld [smem:$0x3FB0]  }
0x3d: {  	_ =	shalt  }
0x3e: {  	_ =	shalt  }
0x3f: {  	_ =	shalt  }
0x40: {  	_ =	shalt  }
0x41: {  	_ =	shalt  }
0x42: {  	_ =	shalt  }
0x43: {  	_ =	shalt  }
0x44: {  	_ =	shalt  }
0x45: {  	_ =	shalt  }
0x46: {  	_ =	shalt  }
0x47: {  	_ =	shalt  }
0x48: {  	_ =	shalt  }
0x49: {  	_ =	shalt  }
0x4a: {  	_ =	shalt  }
0x4b: {  	_ =	shalt  }
0x4c: {  	_ =	shalt  }
0x4d: {  	_ =	shalt  }
0x4e: {  	_ =	shalt  }
0x4f: {  	_ =	shalt  }
0x50: {  	_ =	shalt  }
0x51: {  	_ =	shalt  }
0x52: {  	_ =	shalt  }
0x53: {  	_ =	shalt  }
0x54: {  	_ =	shalt  }
0x55: {  	_ =	shalt  }
0x56: {  	_ =	shalt  }
0x57: {  	_ =	shalt  }
0x58: {  	_ =	shalt  }
0x59: {  	_ =	shalt  }
0x5a: {  	_ =	shalt  }
0x5b: {  	_ =	shalt  }
0x5c: {  	_ =	shalt  }
0x5d: {  	_ =	shalt  }
0x5e: {  	_ =	shalt  }
0x5f: {  	_ =	shalt  }
0x60: {  	_ =	shalt  }
0x61: {  	_ =	shalt  }
0x62: {  	_ =	shalt  }
0x63: {  	_ =	shalt  }
0x64: {  	_ =	shalt  }
0x65: {  	_ =	shalt  }
0x66: {  	_ =	shalt  }
0x67: {  	_ =	shalt  }
0x68: {  	_ =	shalt  }
0x69: {  	_ =	shalt  }
0x6a: {  	_ =	shalt  }
0x6b: {  	_ =	shalt  }
0x6c: {  	_ =	shalt  }
0x6d: {  	_ =	shalt  }
0x6e: {  	_ =	shalt  }
0x6f: {  	_ =	shalt  }
0x70: {  	_ =	shalt  }
0x71: {  	_ =	shalt  }
0x72: {  	_ =	shalt  }
0x73: {  	_ =	shalt  }
0x74: {  	_ =	shalt  }
0x75: {  	_ =	shalt  }
0x76: {  	_ =	shalt  }
0x77: {  	_ =	shalt  }
0x78: {  	_ =	shalt  }
0x79: {  	_ =	shalt  }
0x7a: {  	_ =	shalt  }
0x7b: {  	_ =	shalt  }
0x7c: {  	_ =	shalt  }
0x7d: {  	_ =	shalt  }
0x7e: {  	_ =	shalt  }
0x7f: {  	_ =	shalt  }
0x80: {  	_ =	shalt  }
0x81: {  	_ =	shalt  }
0x82: {  	_ =	shalt  }
0x83: {  	_ =	shalt  }
0x84: {  	_ =	shalt  }
0x85: {  	_ =	shalt  }
0x86: {  	_ =	shalt  }
0x87: {  	_ =	shalt  }
.Lfunc_end0:
.L_simem_size_0:
called_computation_lowered:
.L_overlay_start_0:
0x88: {  	s2 =	sld [smem:$0x3FD9]  }
0x89: {  	s3 =	sld [smem:$0x3FFE];
	_ =	sdelay $0x1  }
0x8a: {  	s1 =	srdreg.scid  }
0x8b: {  	s0 =	sand.u32 $0x1, s1  }
0x8c: {  	s17 =	sshll.u32 s0, $0xA;
	s2 =	sadd.s32 s3, s2  }
0x8d: {  	s2 =	sadd.s32 s2, s17  }
0x8e: {  	[smem:$0x3FBC] =	sst s2  }
0x8f: {  	_ = 	snop  }
0x90: {  	s2 =	sld [smem:$0x3FC8];
	(tm) =	ssettm $0x1  }
0x91: {  	s18 =	sld [smem:$0x3FFB];
	_ =	sdelay $0x3  }
0x92: {  	_ =	strace s18  }
0x93: {  	s3 =	sld [smem:$0x3FFC];
	_ =	sdelay $0x3  }
0x94: {  	_ =	strace s3  }
0x95: {  	s3 =	sld [smem:$0x3FFD];
	_ =	sdelay $0x3  }
0x96: {  	_ =	strace s3  }
0x97: {  	_ =	strace $0x8FFFFFFF  }
0x98: {  	s19 =	sld [smem:$0x3FDB];
	_ =	sdelay $0x1  }
0x99: {  	s4 =	simm.s32 $_scs_section_size  }
0x9a: {  	s5 =	simm.s32 $_size__tile_overlayer_lowered;
	s6 =	simm.s32 $_tile_overlayer_lowered  }
0x9b: {  	s22 =	simm.s32 $0x1BFF;
	s21 =	sshll.u32 s6, $0x1;
	s3 =	sadd.s32 s4, s19  }
0x9c: {  	s7 =	simm.s32 $0x0;
	s20 =	sshll.u32 s5, $0x1;
	s5 =	sadd.s32 s21, s3  }
0x9d: {  	[timem:s7], [sflag:s22] =	dma.local [hbm:s5], s20  }
0x9e: {  	_ =	swait.ge [sflag:s22], s20  }
0x9f: {  	s4 =	ssub.s32 $0x0, s20;
	[sflag:s22] =	ssyncset.done $0x0  }
0xa0: {  	[sflag:s22] =	ssyncadd.s32 s4;
	_ =	sdelay $0x1  }
0xa1: {  	s23 =	simm.s32 $0x1B8B  }
0xa2: {  	_ =	swait.ge [sflag:s23], $0x1  }
0xa3: {  	[sflag:s23] =	ssyncset.done $0x0  }
0xa4: {  	s25 =	simm.s32 $0x1B8E;
	s24 =	sld [smem:$0x3FFE];
	[sflag:s23] =	ssyncadd.s32 $0xFFFFFFFF  }
0xa5: {  	s26 =	simm.s32 $execute0_lowered;
	[smem:$0x3FD2] =	sst s25  }
0xa6: {  	s5 =	sshll.u32 s26, $0x1;
	_ =	strace $0x80000046;
	[dreg:$0x1] =	wrdreg $0xFFFFFFFF  }
0xa7: {  	s28 =	simm.s32 $_size_execute0_lowered;
	s3 =	sadd.s32 s3, s5;
	[dreg:$0x0] =	wrdreg $0x0  }
0xa8: {  	s5 =	sshll.u32 s28, $0x1;
	[dreg:$0x2] =	wrdreg s3  }
0xa9: {  	[dreg:$0x3] =	wrdreg s5  }
0xaa: {  	[dreg:$0x4] =	wrdreg $0xC0  }
0xab: {  	_ =	task [dreg:s7], $0x5FFFF  }
0xac: {  	[dreg:$0x1] =	wrdreg $0xFFFFFFFF  }
0xad: {  	[dreg:$0x0] =	wrdreg $0x60  }
0xae: {  	[dreg:$0x2] =	wrdreg s2  }
0xaf: {  	[dreg:$0x3] =	wrdreg s24  }
0xb0: {  	[dreg:$0x4] =	wrdreg $0x78000  }
0xb1: {  	[dreg:$0x5] =	wrdreg $0x9  }
0xb2: {  	_ =	task.clear_ibuf [dreg:s7], $0x6FFFF;
	_ =	strace $0x90000046  }
0xb3: {  	s29 =	simm.s32 $0x9;
	_ =	strace $0x80000048  }
0xb4: {  	_ =	swait.ge [sflag:s29], $0x1  }
0xb5: {  	[sflag:s29] =	ssyncadd.s32 $0xFFFFFFFF  }
0xb6: {  	_ =	strace $0x90000048  }
0xb7: {  	_ =	sfence  }
0xb8: {  	s30 =	sld [smem:$0x0];
	_ =	sdelay $0x2  }
0xb9: {  	s31 =	sshll.u32 s1, $0xD;
	s1 =	sshrl.u32 s1, $0x2  }
0xba: {  	s3 =	sand.u32 $0x4000, s31;
	s1 =	sadd.s32 s1, s30  }
0xbb: {  	s0 =	sor.u32 s3, s0;
	s1 =	sshll.u32 s1, $0x11  }
0xbc: {  	s0 =	sor.u32 s1, s0  }
0xbd: {  	s0 =	sadd.s32 $0x8F2B, s0  }
0xbe: {  	[sflag:s0] =	ssyncadd.remote.s32 $0x1  }
0xbf: {  	_ =	sfence.sel $0xFFFF  }
0xc0: {  	[dreg:$0x0] =	wrdreg $0xFFFFFFFF;
	(pc) =	sbr.abs _section_cstart, $3  }
0xc1: {  	[dreg:$0x1] =	wrdreg $0xFFFFFFFF  }
0xc2: {  	_ =	task.clear_ibuf [dreg:s7], $0x2FFFF;
	_ =	strace $0x9FFFFFFF  }
0xc3: {  	(tm) =	ssettm $0x7FFFFFFF  }
tec
execute0_lowered:
.L_overlay_start_1:
0x0: {  	(tag) =	ssettag $0x1  }
0x1: {  	s4 =	rddreg [dreg:$0x0]  }
0x2: {  	s3 =	rddreg [dreg:$0x1]  }
0x3: {  	s1 =	srdreg.scid;
	s0 =	stileid.u32  }
0x4: {  	s6 =	rddreg [dreg:$0x2];
	s2 =	simm.s32 $0x0;
	s13 =	simm.s32 $0x1400  }
0x5: {  	s14 =	simm.s32 $0x14000;
	s15 =	simm.s32 $0xA000;
	s16 =	simm.s32 $0x100  }
0x6: {  	s17 =	simm.s32 $0xC800;
	s5 =	sand.u32 $0x1, s1;
	s1 =	rddreg [dreg:$0x3]  }
0x7: {  	s18 =	simm.s32 $0x0;
	s7 =	smul.u32 $0x500, s0;
	[smem:$0x7FF] =	sst s2  }
0x8: {  	s28 =	sshll.u32 s0, $0x1;
	s10 =	sshrl.u32 s0, $0x3;
	s30 =	smul.u32 $0x5000, s0  }
0x9: {  	s31 =	sshll.u32 s0, $0x7;
	s8 =	sshll.u32 s5, $0x7;
	_ =	strace $0x80000047  }
0xa: {  	s9 =	sor.u32 s5, s28;
	s5 =	ssub.s32 $0x2, s5;
	s10 =	smul.u32 $0x50000, s10  }
0xb: {  	s7 =	sor.u32 s8, s7;
	s8 =	smul.u32 $0xA00, s9;
	s29 =	sshrl.u32 s5, $0x1  }
0xc: {  	s12 =	sshrl.u32 s30, $0x2;
	p0 =	seq.s32 s9, $0x1F;
	s9 =	simm.s32 $0x1  }
0xd: {  	s7 =	sshrl.u32 s7, $0x3;
	s11 =	ssub.s32 s5, s29;
	s10 =	sshrl.u32 s10, $0x2  }
0xe: {  	s7 =	sadd.s32 s7, s3;
	s3 =	sadd.s32 s4, s8;
	s4 =	sadd.s32 $0x13600, s4  }
0xf: {  	s8 =	sand.u32 $0x380, s31;
	s10 =	sadd.s32 s10, s6;
	s6 =	sadd.s32 s12, s6  }
0x10: {  	s12 =	simm.s32 $0x400;
	s5 =	sadd.s32 s8, s10;
	s7 =	sadd.s32 $0x1A00, s7  }
0x11: {  	v0 =	vimm.f32 $0.0e+00;
	v1 =	vimm.f32 $1.000000000e+00;
	s8 =	smax.u32 s11, $0x1;
	s10 =	simm.s32 $0x5000;
	s11 =	simm.s32 $0x80  }
.LBB2_1:
0x12: {  	s19 =	simm.s32 $0x0;
	s20 =	simm.s32 $0x200  }
.LBB2_2:
0x13: {  	p1 =	sne.s32 s20, $0x9E00;
	[tilespmem:s19+$0x5070] =	vst v0  }
0x14: {  	[tilespmem:s19+$0x5000] =	vst v0  }
0x15: {  	[tilespmem:s19+$0x5010] =	vst v0  }
.Ltmp0:
0x16: {  	[tilespmem:s19+$0x5020] =	vst v0;
	(pc) =	sbr.rel @p1 .LBB2_2-.Ltmp0, $4  }
0x17: {  	[tilespmem:s19+$0x5030] =	vst v0  }
0x18: {  	[tilespmem:s19+$0x5040] =	vst v0  }
0x19: {  	[tilespmem:s19+$0x5050] =	vst v0  }
0x1a: {  	[tilespmem:s19+$0x5060] =	vst v0;
	s19 =	sshra.s32 s20, $0x2;
	s20 =	sadd.s32 $0x200, s20  }
0x1b: {  	[tilespmem:s19+$0x5070] =	vst v0  }
0x1c: {  	[tilespmem:s19+$0x5000] =	vst v0  }
0x1d: {  	[tilespmem:s19+$0x5010] =	vst v0  }
.Ltmp1:
0x1e: {  	[tilespmem:s19+$0x5020] =	vst v0;
	(pc) =	sbr.rel @!p0 .LBB2_4-.Ltmp1, $4  }
0x1f: {  	[tilespmem:s19+$0x5030] =	vst v0  }
0x20: {  	[tilespmem:s19+$0x5040] =	vst v0  }
0x21: {  	[tilespmem:s19+$0x5050] =	vst v0  }
0x22: {  	[tilespmem:s19+$0x5060] =	vst v0  }
0x23: {  	[tilespmem:s2], [sflag:$0x1] =	stream.linear.gather [hbm4b:s4+s2], $0x1400, $0x38;
	[tilespmem:$0xCA80] =	vst v63  }
0x24: {  	_ =	swait.ge [sflag:s9], $0x1400  }
0x25: {  	[sflag:s9] =	ssyncset.done $0x0  }
0x26: {  	[sflag:s9] =	ssyncadd.s32 $0xFFFFEC00  }
0x27: {  	v2 =	vld [tilespmem:$0x0];
	_ =	sdelay $0x7  }
0x28: {  	[tilespmem:v2+s10+$0x0] =	vst.idx.msk $0xffff, v1  }
0x29: {  	v2 =	vld [tilespmem:$0x10];
	_ =	sdelay $0x7  }
0x2a: {  	[tilespmem:v2+s10+$0x0] =	vst.idx.msk $0xffff, v1  }
0x2b: {  	v2 =	vld [tilespmem:$0x20];
	_ =	sdelay $0x7  }
0x2c: {  	[tilespmem:v2+s10+$0x0] =	vst.idx.msk $0xffff, v1  }
0x2d: {  	v2 =	vld [tilespmem:$0x30];
	_ =	sdelay $0x7  }
0x2e: {  	[tilespmem:v2+s10+$0x0] =	vst.idx.msk $0xffff, v1  }
0x2f: {  	v2 =	vld [tilespmem:$0x40];
	_ =	sdelay $0x7  }
0x30: {  	[tilespmem:v2+s10+$0x0] =	vst.idx.msk $0xffff, v1  }
0x31: {  	v2 =	vld [tilespmem:$0x50];
	_ =	sdelay $0x7  }
0x32: {  	[tilespmem:v2+s10+$0x0] =	vst.idx.msk $0xffff, v1  }
0x33: {  	v2 =	vld [tilespmem:$0x60];
	_ =	sdelay $0x7  }
0x34: {  	[tilespmem:v2+s10+$0x0] =	vst.idx.msk $0xffff, v1  }
0x35: {  	v2 =	vld [tilespmem:$0x70];
	_ =	sdelay $0x7  }
0x36: {  	[tilespmem:v2+s10+$0x0] =	vst.idx.msk $0xffff, v1  }
0x37: {  	v2 =	vld [tilespmem:$0x100];
	_ =	sdelay $0x7  }
0x38: {  	[tilespmem:v2+s10+$0x0] =	vst.idx.msk $0xffff, v1  }
0x39: {  	v2 =	vld [tilespmem:$0x110];
	_ =	sdelay $0x7  }
0x3a: {  	[tilespmem:v2+s10+$0x0] =	vst.idx.msk $0xffff, v1  }
0x3b: {  	v2 =	vld [tilespmem:$0x120];
	_ =	sdelay $0x7  }
0x3c: {  	[tilespmem:v2+s10+$0x0] =	vst.idx.msk $0xffff, v1  }
0x3d: {  	v2 =	vld [tilespmem:$0x130];
	_ =	sdelay $0x7  }
0x3e: {  	[tilespmem:v2+s10+$0x0] =	vst.idx.msk $0xffff, v1  }
0x3f: {  	v2 =	vld [tilespmem:$0x140];
	_ =	sdelay $0x7  }
0x40: {  	[tilespmem:v2+s10+$0x0] =	vst.idx.msk $0xffff, v1  }
0x41: {  	v2 =	vld [tilespmem:$0x150];
	_ =	sdelay $0x7  }
0x42: {  	[tilespmem:v2+s10+$0x0] =	vst.idx.msk $0xffff, v1  }
0x43: {  	v2 =	vld [tilespmem:$0x160];
	_ =	sdelay $0x7  }
0x44: {  	[tilespmem:v2+s10+$0x0] =	vst.idx.msk $0xffff, v1  }
0x45: {  	v2 =	vld [tilespmem:$0x170];
	_ =	sdelay $0x7  }
0x46: {  	[tilespmem:v2+s10+$0x0] =	vst.idx.msk $0xffff, v1  }
0x47: {  	v2 =	vld [tilespmem:$0x200];
	_ =	sdelay $0x7  }
0x48: {  	[tilespmem:v2+s10+$0x0] =	vst.idx.msk $0xffff, v1  }
0x49: {  	v2 =	vld [tilespmem:$0x210];
	_ =	sdelay $0x7  }
0x4a: {  	[tilespmem:v2+s10+$0x0] =	vst.idx.msk $0xffff, v1  }
0x4b: {  	v2 =	vld [tilespmem:$0x220];
	_ =	sdelay $0x7  }
0x4c: {  	[tilespmem:v2+s10+$0x0] =	vst.idx.msk $0xffff, v1  }
0x4d: {  	v2 =	vld [tilespmem:$0x230];
	_ =	sdelay $0x7  }
0x4e: {  	[tilespmem:v2+s10+$0x0] =	vst.idx.msk $0xffff, v1  }
0x4f: {  	v2 =	vld [tilespmem:$0x240];
	_ =	sdelay $0x7  }
0x50: {  	[tilespmem:v2+s10+$0x0] =	vst.idx.msk $0xffff, v1  }
0x51: {  	v2 =	vld [tilespmem:$0x250];
	_ =	sdelay $0x7  }
0x52: {  	[tilespmem:v2+s10+$0x0] =	vst.idx.msk $0xffff, v1  }
0x53: {  	v2 =	vld [tilespmem:$0x260];
	_ =	sdelay $0x7  }
0x54: {  	[tilespmem:v2+s10+$0x0] =	vst.idx.msk $0xffff, v1  }
0x55: {  	v2 =	vld [tilespmem:$0x270];
	_ =	sdelay $0x7  }
0x56: {  	[tilespmem:v2+s10+$0x0] =	vst.idx.msk $0xffff, v1  }
0x57: {  	v2 =	vld [tilespmem:$0x300];
	_ =	sdelay $0x7  }
0x58: {  	[tilespmem:v2+s10+$0x0] =	vst.idx.msk $0xffff, v1  }
0x59: {  	v2 =	vld [tilespmem:$0x310];
	_ =	sdelay $0x7  }
0x5a: {  	[tilespmem:v2+s10+$0x0] =	vst.idx.msk $0xffff, v1  }
0x5b: {  	v2 =	vld [tilespmem:$0x320];
	_ =	sdelay $0x7  }
0x5c: {  	[tilespmem:v2+s10+$0x0] =	vst.idx.msk $0xffff, v1  }
0x5d: {  	v2 =	vld [tilespmem:$0x330];
	_ =	sdelay $0x7  }
0x5e: {  	[tilespmem:v2+s10+$0x0] =	vst.idx.msk $0xffff, v1  }
0x5f: {  	v2 =	vld [tilespmem:$0x340];
	_ =	sdelay $0x7  }
0x60: {  	[tilespmem:v2+s10+$0x0] =	vst.idx.msk $0xffff, v1  }
0x61: {  	v2 =	vld [tilespmem:$0x350];
	_ =	sdelay $0x7  }
0x62: {  	[tilespmem:v2+s10+$0x0] =	vst.idx.msk $0xffff, v1  }
0x63: {  	v2 =	vld [tilespmem:$0x360];
	_ =	sdelay $0x7  }
0x64: {  	[tilespmem:v2+s10+$0x0] =	vst.idx.msk $0xffff, v1  }
0x65: {  	v2 =	vld [tilespmem:$0x370];
	_ =	sdelay $0x7  }
0x66: {  	[tilespmem:v2+s10+$0x0] =	vst.idx.msk $0xffff, v1  }
0x67: {  	v2 =	vld [tilespmem:$0x400];
	_ =	sdelay $0x7  }
0x68: {  	[tilespmem:v2+s10+$0x0] =	vst.idx.msk $0xffff, v1  }
0x69: {  	v2 =	vld [tilespmem:$0x410];
	_ =	sdelay $0x7  }
0x6a: {  	[tilespmem:v2+s10+$0x0] =	vst.idx.msk $0xffff, v1  }
0x6b: {  	v2 =	vld [tilespmem:$0x420];
	_ =	sdelay $0x7  }
0x6c: {  	[tilespmem:v2+s10+$0x0] =	vst.idx.msk $0xffff, v1  }
0x6d: {  	v2 =	vld [tilespmem:$0x430];
	_ =	sdelay $0x7  }
0x6e: {  	[tilespmem:v2+s10+$0x0] =	vst.idx.msk $0xffff, v1  }
0x6f: {  	v2 =	vld [tilespmem:$0x440];
	_ =	sdelay $0x7  }
0x70: {  	[tilespmem:v2+s10+$0x0] =	vst.idx.msk $0xffff, v1  }
0x71: {  	v2 =	vld [tilespmem:$0x450];
	_ =	sdelay $0x7  }
0x72: {  	[tilespmem:v2+s10+$0x0] =	vst.idx.msk $0xffff, v1  }
0x73: {  	v2 =	vld [tilespmem:$0x460];
	_ =	sdelay $0x7  }
0x74: {  	[tilespmem:v2+s10+$0x0] =	vst.idx.msk $0xffff, v1  }
0x75: {  	v2 =	vld [tilespmem:$0x470];
	_ =	sdelay $0x7  }
0x76: {  	[tilespmem:v2+s10+$0x0] =	vst.idx.msk $0xffff, v1  }
0x77: {  	v2 =	vld [tilespmem:$0x500];
	_ =	sdelay $0x7  }
0x78: {  	[tilespmem:v2+s10+$0x0] =	vst.idx.msk $0xffff, v1  }
0x79: {  	v2 =	vld [tilespmem:$0x510];
	_ =	sdelay $0x7  }
0x7a: {  	[tilespmem:v2+s10+$0x0] =	vst.idx.msk $0xffff, v1  }
0x7b: {  	v2 =	vld [tilespmem:$0x520];
	_ =	sdelay $0x7  }
0x7c: {  	[tilespmem:v2+s10+$0x0] =	vst.idx.msk $0xffff, v1  }
0x7d: {  	v2 =	vld [tilespmem:$0x530];
	_ =	sdelay $0x7  }
0x7e: {  	[tilespmem:v2+s10+$0x0] =	vst.idx.msk $0xffff, v1  }
0x7f: {  	v2 =	vld [tilespmem:$0x540];
	_ =	sdelay $0x7  }
0x80: {  	[tilespmem:v2+s10+$0x0] =	vst.idx.msk $0xffff, v1  }
0x81: {  	v2 =	vld [tilespmem:$0x550];
	_ =	sdelay $0x7  }
0x82: {  	[tilespmem:v2+s10+$0x0] =	vst.idx.msk $0xffff, v1  }
0x83: {  	v2 =	vld [tilespmem:$0x560];
	_ =	sdelay $0x7  }
0x84: {  	[tilespmem:v2+s10+$0x0] =	vst.idx.msk $0xffff, v1  }
0x85: {  	v2 =	vld [tilespmem:$0x570];
	_ =	sdelay $0x7  }
0x86: {  	[tilespmem:v2+s10+$0x0] =	vst.idx.msk $0xffff, v1  }
0x87: {  	v2 =	vld [tilespmem:$0x600];
	_ =	sdelay $0x7  }
0x88: {  	[tilespmem:v2+s10+$0x0] =	vst.idx.msk $0xffff, v1  }
0x89: {  	v2 =	vld [tilespmem:$0x610];
	_ =	sdelay $0x7  }
0x8a: {  	[tilespmem:v2+s10+$0x0] =	vst.idx.msk $0xffff, v1  }
0x8b: {  	v2 =	vld [tilespmem:$0x620];
	_ =	sdelay $0x7  }
0x8c: {  	[tilespmem:v2+s10+$0x0] =	vst.idx.msk $0xffff, v1  }
0x8d: {  	v2 =	vld [tilespmem:$0x630];
	_ =	sdelay $0x7  }
0x8e: {  	[tilespmem:v2+s10+$0x0] =	vst.idx.msk $0xffff, v1  }
0x8f: {  	v2 =	vld [tilespmem:$0x640];
	_ =	sdelay $0x7  }
0x90: {  	[tilespmem:v2+s10+$0x0] =	vst.idx.msk $0xffff, v1  }
0x91: {  	v2 =	vld [tilespmem:$0x650];
	_ =	sdelay $0x7  }
0x92: {  	[tilespmem:v2+s10+$0x0] =	vst.idx.msk $0xffff, v1  }
0x93: {  	v2 =	vld [tilespmem:$0x660];
	_ =	sdelay $0x7  }
0x94: {  	[tilespmem:v2+s10+$0x0] =	vst.idx.msk $0xffff, v1  }
0x95: {  	v2 =	vld [tilespmem:$0x670];
	_ =	sdelay $0x7  }
0x96: {  	[tilespmem:v2+s10+$0x0] =	vst.idx.msk $0xffff, v1  }
0x97: {  	v2 =	vld [tilespmem:$0x700];
	_ =	sdelay $0x7  }
0x98: {  	[tilespmem:v2+s10+$0x0] =	vst.idx.msk $0xffff, v1  }
0x99: {  	v2 =	vld [tilespmem:$0x710];
	_ =	sdelay $0x7  }
0x9a: {  	[tilespmem:v2+s10+$0x0] =	vst.idx.msk $0xffff, v1  }
0x9b: {  	v2 =	vld [tilespmem:$0x720];
	_ =	sdelay $0x7  }
0x9c: {  	[tilespmem:v2+s10+$0x0] =	vst.idx.msk $0xffff, v1  }
0x9d: {  	v2 =	vld [tilespmem:$0x730];
	_ =	sdelay $0x7  }
0x9e: {  	[tilespmem:v2+s10+$0x0] =	vst.idx.msk $0xffff, v1  }
0x9f: {  	v2 =	vld [tilespmem:$0x740];
	_ =	sdelay $0x7  }
0xa0: {  	[tilespmem:v2+s10+$0x0] =	vst.idx.msk $0xffff, v1  }
0xa1: {  	v2 =	vld [tilespmem:$0x750];
	_ =	sdelay $0x7  }
0xa2: {  	[tilespmem:v2+s10+$0x0] =	vst.idx.msk $0xffff, v1  }
0xa3: {  	v2 =	vld [tilespmem:$0x760];
	_ =	sdelay $0x7  }
0xa4: {  	[tilespmem:v2+s10+$0x0] =	vst.idx.msk $0xffff, v1  }
0xa5: {  	v2 =	vld [tilespmem:$0x770];
	_ =	sdelay $0x7  }
0xa6: {  	[tilespmem:v2+s10+$0x0] =	vst.idx.msk $0xffff, v1  }
0xa7: {  	v2 =	vld [tilespmem:$0x800];
	_ =	sdelay $0x7  }
0xa8: {  	[tilespmem:v2+s10+$0x0] =	vst.idx.msk $0xffff, v1  }
0xa9: {  	v2 =	vld [tilespmem:$0x810];
	_ =	sdelay $0x7  }
0xaa: {  	[tilespmem:v2+s10+$0x0] =	vst.idx.msk $0xffff, v1  }
0xab: {  	v2 =	vld [tilespmem:$0x820];
	_ =	sdelay $0x7  }
0xac: {  	[tilespmem:v2+s10+$0x0] =	vst.idx.msk $0xffff, v1  }
0xad: {  	v2 =	vld [tilespmem:$0x830];
	_ =	sdelay $0x7  }
0xae: {  	[tilespmem:v2+s10+$0x0] =	vst.idx.msk $0xffff, v1  }
0xaf: {  	v2 =	vld [tilespmem:$0x840];
	_ =	sdelay $0x7  }
0xb0: {  	[tilespmem:v2+s10+$0x0] =	vst.idx.msk $0xffff, v1  }
0xb1: {  	v2 =	vld [tilespmem:$0x850];
	_ =	sdelay $0x7  }
0xb2: {  	[tilespmem:v2+s10+$0x0] =	vst.idx.msk $0xffff, v1  }
0xb3: {  	v2 =	vld [tilespmem:$0x860];
	_ =	sdelay $0x7  }
0xb4: {  	[tilespmem:v2+s10+$0x0] =	vst.idx.msk $0xffff, v1  }
0xb5: {  	v2 =	vld [tilespmem:$0x870];
	_ =	sdelay $0x7  }
0xb6: {  	[tilespmem:v2+s10+$0x0] =	vst.idx.msk $0xffff, v1  }
0xb7: {  	v2 =	vld [tilespmem:$0x900];
	_ =	sdelay $0x7  }
0xb8: {  	[tilespmem:v2+s10+$0x0] =	vst.idx.msk $0xffff, v1  }
0xb9: {  	v2 =	vld [tilespmem:$0x910];
	_ =	sdelay $0x7  }
0xba: {  	[tilespmem:v2+s10+$0x0] =	vst.idx.msk $0xffff, v1  }
0xbb: {  	v2 =	vld [tilespmem:$0x920];
	_ =	sdelay $0x7  }
0xbc: {  	[tilespmem:v2+s10+$0x0] =	vst.idx.msk $0xffff, v1  }
0xbd: {  	v2 =	vld [tilespmem:$0x930];
	_ =	sdelay $0x7  }
0xbe: {  	[tilespmem:v2+s10+$0x0] =	vst.idx.msk $0xffff, v1  }
0xbf: {  	v2 =	vld [tilespmem:$0x940];
	_ =	sdelay $0x7  }
0xc0: {  	[tilespmem:v2+s10+$0x0] =	vst.idx.msk $0xffff, v1  }
0xc1: {  	v2 =	vld [tilespmem:$0x950];
	_ =	sdelay $0x7  }
0xc2: {  	[tilespmem:v2+s10+$0x0] =	vst.idx.msk $0xffff, v1  }
0xc3: {  	v2 =	vld [tilespmem:$0x960];
	_ =	sdelay $0x7  }
0xc4: {  	[tilespmem:v2+s10+$0x0] =	vst.idx.msk $0xffff, v1  }
0xc5: {  	v2 =	vld [tilespmem:$0x970];
	_ =	sdelay $0x7  }
0xc6: {  	[tilespmem:v2+s10+$0x0] =	vst.idx.msk $0xffff, v1  }
0xc7: {  	v2 =	vld [tilespmem:$0xA00];
	_ =	sdelay $0x7  }
0xc8: {  	[tilespmem:v2+s10+$0x0] =	vst.idx.msk $0xffff, v1  }
0xc9: {  	v2 =	vld [tilespmem:$0xA10];
	_ =	sdelay $0x7  }
0xca: {  	[tilespmem:v2+s10+$0x0] =	vst.idx.msk $0xffff, v1  }
0xcb: {  	v2 =	vld [tilespmem:$0xA20];
	_ =	sdelay $0x7  }
0xcc: {  	[tilespmem:v2+s10+$0x0] =	vst.idx.msk $0xffff, v1  }
0xcd: {  	v2 =	vld [tilespmem:$0xA30];
	_ =	sdelay $0x7  }
0xce: {  	[tilespmem:v2+s10+$0x0] =	vst.idx.msk $0xffff, v1  }
0xcf: {  	v2 =	vld [tilespmem:$0xA40];
	_ =	sdelay $0x7  }
0xd0: {  	[tilespmem:v2+s10+$0x0] =	vst.idx.msk $0xffff, v1  }
0xd1: {  	v2 =	vld [tilespmem:$0xA50];
	_ =	sdelay $0x7  }
0xd2: {  	[tilespmem:v2+s10+$0x0] =	vst.idx.msk $0xffff, v1  }
0xd3: {  	v2 =	vld [tilespmem:$0xA60];
	_ =	sdelay $0x7  }
0xd4: {  	[tilespmem:v2+s10+$0x0] =	vst.idx.msk $0xffff, v1  }
0xd5: {  	v2 =	vld [tilespmem:$0xA70];
	_ =	sdelay $0x7  }
0xd6: {  	[tilespmem:v2+s10+$0x0] =	vst.idx.msk $0xffff, v1  }
0xd7: {  	v2 =	vld [tilespmem:$0xB00];
	_ =	sdelay $0x7  }
0xd8: {  	[tilespmem:v2+s10+$0x0] =	vst.idx.msk $0xffff, v1  }
0xd9: {  	v2 =	vld [tilespmem:$0xB10];
	_ =	sdelay $0x7  }
0xda: {  	[tilespmem:v2+s10+$0x0] =	vst.idx.msk $0xffff, v1  }
0xdb: {  	v2 =	vld [tilespmem:$0xB20];
	_ =	sdelay $0x7  }
0xdc: {  	[tilespmem:v2+s10+$0x0] =	vst.idx.msk $0xffff, v1  }
0xdd: {  	v2 =	vld [tilespmem:$0xB30];
	_ =	sdelay $0x7  }
0xde: {  	[tilespmem:v2+s10+$0x0] =	vst.idx.msk $0xffff, v1  }
0xdf: {  	v2 =	vld [tilespmem:$0xB40];
	_ =	sdelay $0x7  }
0xe0: {  	[tilespmem:v2+s10+$0x0] =	vst.idx.msk $0xffff, v1  }
0xe1: {  	v2 =	vld [tilespmem:$0xB50];
	_ =	sdelay $0x7  }
0xe2: {  	[tilespmem:v2+s10+$0x0] =	vst.idx.msk $0xffff, v1  }
0xe3: {  	v2 =	vld [tilespmem:$0xB60];
	_ =	sdelay $0x7  }
0xe4: {  	[tilespmem:v2+s10+$0x0] =	vst.idx.msk $0xffff, v1  }
0xe5: {  	v2 =	vld [tilespmem:$0xB70];
	_ =	sdelay $0x7  }
0xe6: {  	[tilespmem:v2+s10+$0x0] =	vst.idx.msk $0xffff, v1  }
0xe7: {  	v2 =	vld [tilespmem:$0xC00];
	_ =	sdelay $0x7  }
0xe8: {  	[tilespmem:v2+s10+$0x0] =	vst.idx.msk $0xffff, v1  }
0xe9: {  	v2 =	vld [tilespmem:$0xC10];
	_ =	sdelay $0x7  }
0xea: {  	[tilespmem:v2+s10+$0x0] =	vst.idx.msk $0xffff, v1  }
0xeb: {  	v2 =	vld [tilespmem:$0xC20];
	_ =	sdelay $0x7  }
0xec: {  	[tilespmem:v2+s10+$0x0] =	vst.idx.msk $0xffff, v1  }
0xed: {  	v2 =	vld [tilespmem:$0xC30];
	_ =	sdelay $0x7  }
0xee: {  	[tilespmem:v2+s10+$0x0] =	vst.idx.msk $0xffff, v1  }
0xef: {  	v2 =	vld [tilespmem:$0xC40];
	_ =	sdelay $0x7  }
0xf0: {  	[tilespmem:v2+s10+$0x0] =	vst.idx.msk $0xffff, v1  }
0xf1: {  	v2 =	vld [tilespmem:$0xC50];
	_ =	sdelay $0x7  }
0xf2: {  	[tilespmem:v2+s10+$0x0] =	vst.idx.msk $0xffff, v1  }
0xf3: {  	v2 =	vld [tilespmem:$0xC60];
	_ =	sdelay $0x7  }
0xf4: {  	[tilespmem:v2+s10+$0x0] =	vst.idx.msk $0xffff, v1  }
0xf5: {  	v2 =	vld [tilespmem:$0xC70];
	_ =	sdelay $0x7  }
0xf6: {  	[tilespmem:v2+s10+$0x0] =	vst.idx.msk $0xffff, v1  }
0xf7: {  	v2 =	vld [tilespmem:$0xD00];
	_ =	sdelay $0x7  }
0xf8: {  	[tilespmem:v2+s10+$0x0] =	vst.idx.msk $0xffff, v1  }
0xf9: {  	v2 =	vld [tilespmem:$0xD10];
	_ =	sdelay $0x7  }
0xfa: {  	[tilespmem:v2+s10+$0x0] =	vst.idx.msk $0xffff, v1  }
0xfb: {  	v2 =	vld [tilespmem:$0xD20];
	_ =	sdelay $0x7  }
0xfc: {  	[tilespmem:v2+s10+$0x0] =	vst.idx.msk $0xffff, v1  }
0xfd: {  	v2 =	vld [tilespmem:$0xD30];
	_ =	sdelay $0x7  }
0xfe: {  	[tilespmem:v2+s10+$0x0] =	vst.idx.msk $0xffff, v1  }
0xff: {  	v2 =	vld [tilespmem:$0xD40];
	_ =	sdelay $0x7  }
0x100: {  	[tilespmem:v2+s10+$0x0] =	vst.idx.msk $0xffff, v1  }
0x101: {  	v2 =	vld [tilespmem:$0xD50];
	_ =	sdelay $0x7  }
0x102: {  	[tilespmem:v2+s10+$0x0] =	vst.idx.msk $0xffff, v1  }
0x103: {  	v2 =	vld [tilespmem:$0xD60];
	_ =	sdelay $0x7  }
0x104: {  	[tilespmem:v2+s10+$0x0] =	vst.idx.msk $0xffff, v1  }
0x105: {  	v2 =	vld [tilespmem:$0xD70];
	_ =	sdelay $0x7  }
0x106: {  	[tilespmem:v2+s10+$0x0] =	vst.idx.msk $0xffff, v1  }
0x107: {  	v2 =	vld [tilespmem:$0xE00];
	_ =	sdelay $0x7  }
0x108: {  	[tilespmem:v2+s10+$0x0] =	vst.idx.msk $0xffff, v1  }
0x109: {  	v2 =	vld [tilespmem:$0xE10];
	_ =	sdelay $0x7  }
0x10a: {  	[tilespmem:v2+s10+$0x0] =	vst.idx.msk $0xffff, v1  }
0x10b: {  	v2 =	vld [tilespmem:$0xE20];
	_ =	sdelay $0x7  }
0x10c: {  	[tilespmem:v2+s10+$0x0] =	vst.idx.msk $0xffff, v1  }
0x10d: {  	v2 =	vld [tilespmem:$0xE30];
	_ =	sdelay $0x7  }
0x10e: {  	[tilespmem:v2+s10+$0x0] =	vst.idx.msk $0xffff, v1  }
0x10f: {  	v2 =	vld [tilespmem:$0xE40];
	_ =	sdelay $0x7  }
0x110: {  	[tilespmem:v2+s10+$0x0] =	vst.idx.msk $0xffff, v1  }
0x111: {  	v2 =	vld [tilespmem:$0xE50];
	_ =	sdelay $0x7  }
0x112: {  	[tilespmem:v2+s10+$0x0] =	vst.idx.msk $0xffff, v1  }
0x113: {  	v2 =	vld [tilespmem:$0xE60];
	_ =	sdelay $0x7  }
0x114: {  	[tilespmem:v2+s10+$0x0] =	vst.idx.msk $0xffff, v1  }
0x115: {  	v2 =	vld [tilespmem:$0xE70];
	_ =	sdelay $0x7  }
0x116: {  	[tilespmem:v2+s10+$0x0] =	vst.idx.msk $0xffff, v1  }
0x117: {  	v2 =	vld [tilespmem:$0xF00];
	_ =	sdelay $0x7  }
0x118: {  	[tilespmem:v2+s10+$0x0] =	vst.idx.msk $0xffff, v1  }
0x119: {  	v2 =	vld [tilespmem:$0xF10];
	_ =	sdelay $0x7  }
0x11a: {  	[tilespmem:v2+s10+$0x0] =	vst.idx.msk $0xffff, v1  }
0x11b: {  	v2 =	vld [tilespmem:$0xF20];
	_ =	sdelay $0x7  }
0x11c: {  	[tilespmem:v2+s10+$0x0] =	vst.idx.msk $0xffff, v1  }
0x11d: {  	v2 =	vld [tilespmem:$0xF30];
	_ =	sdelay $0x7  }
0x11e: {  	[tilespmem:v2+s10+$0x0] =	vst.idx.msk $0xffff, v1  }
0x11f: {  	v2 =	vld [tilespmem:$0xF40];
	_ =	sdelay $0x7  }
0x120: {  	[tilespmem:v2+s10+$0x0] =	vst.idx.msk $0xffff, v1  }
0x121: {  	v2 =	vld [tilespmem:$0xF50];
	_ =	sdelay $0x7  }
0x122: {  	[tilespmem:v2+s10+$0x0] =	vst.idx.msk $0xffff, v1  }
0x123: {  	v2 =	vld [tilespmem:$0xF60];
	_ =	sdelay $0x7  }
0x124: {  	[tilespmem:v2+s10+$0x0] =	vst.idx.msk $0xffff, v1  }
0x125: {  	v2 =	vld [tilespmem:$0xF70];
	_ =	sdelay $0x7  }
0x126: {  	[tilespmem:v2+s10+$0x0] =	vst.idx.msk $0xffff, v1  }
0x127: {  	v2 =	vld [tilespmem:$0x1000];
	_ =	sdelay $0x7  }
0x128: {  	[tilespmem:v2+s10+$0x0] =	vst.idx.msk $0xffff, v1  }
0x129: {  	v2 =	vld [tilespmem:$0x1010];
	_ =	sdelay $0x7  }
0x12a: {  	[tilespmem:v2+s10+$0x0] =	vst.idx.msk $0xffff, v1  }
0x12b: {  	v2 =	vld [tilespmem:$0x1020];
	_ =	sdelay $0x7  }
0x12c: {  	[tilespmem:v2+s10+$0x0] =	vst.idx.msk $0xffff, v1  }
0x12d: {  	v2 =	vld [tilespmem:$0x1030];
	_ =	sdelay $0x7  }
0x12e: {  	[tilespmem:v2+s10+$0x0] =	vst.idx.msk $0xffff, v1  }
0x12f: {  	v2 =	vld [tilespmem:$0x1040];
	_ =	sdelay $0x7  }
0x130: {  	[tilespmem:v2+s10+$0x0] =	vst.idx.msk $0xffff, v1  }
0x131: {  	v2 =	vld [tilespmem:$0x1050];
	_ =	sdelay $0x7  }
0x132: {  	[tilespmem:v2+s10+$0x0] =	vst.idx.msk $0xffff, v1  }
0x133: {  	v2 =	vld [tilespmem:$0x1060];
	_ =	sdelay $0x7  }
0x134: {  	[tilespmem:v2+s10+$0x0] =	vst.idx.msk $0xffff, v1  }
0x135: {  	v2 =	vld [tilespmem:$0x1070];
	_ =	sdelay $0x7  }
0x136: {  	[tilespmem:v2+s10+$0x0] =	vst.idx.msk $0xffff, v1  }
0x137: {  	v2 =	vld [tilespmem:$0x1100];
	_ =	sdelay $0x7  }
0x138: {  	[tilespmem:v2+s10+$0x0] =	vst.idx.msk $0xffff, v1  }
0x139: {  	v2 =	vld [tilespmem:$0x1110];
	_ =	sdelay $0x7  }
0x13a: {  	[tilespmem:v2+s10+$0x0] =	vst.idx.msk $0xffff, v1  }
0x13b: {  	v2 =	vld [tilespmem:$0x1120];
	_ =	sdelay $0x7  }
0x13c: {  	[tilespmem:v2+s10+$0x0] =	vst.idx.msk $0xffff, v1  }
0x13d: {  	v2 =	vld [tilespmem:$0x1130];
	_ =	sdelay $0x7  }
0x13e: {  	[tilespmem:v2+s10+$0x0] =	vst.idx.msk $0xffff, v1  }
0x13f: {  	v2 =	vld [tilespmem:$0x1140];
	_ =	sdelay $0x7  }
0x140: {  	[tilespmem:v2+s10+$0x0] =	vst.idx.msk $0xffff, v1  }
0x141: {  	v2 =	vld [tilespmem:$0x1150];
	_ =	sdelay $0x7  }
0x142: {  	[tilespmem:v2+s10+$0x0] =	vst.idx.msk $0xffff, v1  }
0x143: {  	v2 =	vld [tilespmem:$0x1160];
	_ =	sdelay $0x7  }
0x144: {  	[tilespmem:v2+s10+$0x0] =	vst.idx.msk $0xffff, v1  }
0x145: {  	v2 =	vld [tilespmem:$0x1170];
	_ =	sdelay $0x7  }
0x146: {  	[tilespmem:v2+s10+$0x0] =	vst.idx.msk $0xffff, v1  }
0x147: {  	v2 =	vld [tilespmem:$0x1200];
	_ =	sdelay $0x7  }
0x148: {  	[tilespmem:v2+s10+$0x0] =	vst.idx.msk $0xffff, v1  }
0x149: {  	v2 =	vld [tilespmem:$0x1210];
	_ =	sdelay $0x7  }
0x14a: {  	[tilespmem:v2+s10+$0x0] =	vst.idx.msk $0xffff, v1  }
0x14b: {  	v2 =	vld [tilespmem:$0x1220];
	_ =	sdelay $0x7  }
0x14c: {  	[tilespmem:v2+s10+$0x0] =	vst.idx.msk $0xffff, v1  }
0x14d: {  	v2 =	vld [tilespmem:$0x1230];
	_ =	sdelay $0x7  }
0x14e: {  	[tilespmem:v2+s10+$0x0] =	vst.idx.msk $0xffff, v1  }
0x14f: {  	v2 =	vld [tilespmem:$0x1240];
	_ =	sdelay $0x7  }
0x150: {  	[tilespmem:v2+s10+$0x0] =	vst.idx.msk $0xffff, v1  }
0x151: {  	v2 =	vld [tilespmem:$0x1250];
	_ =	sdelay $0x7  }
0x152: {  	[tilespmem:v2+s10+$0x0] =	vst.idx.msk $0xffff, v1  }
0x153: {  	v2 =	vld [tilespmem:$0x1260];
	_ =	sdelay $0x7  }
0x154: {  	[tilespmem:v2+s10+$0x0] =	vst.idx.msk $0xffff, v1  }
0x155: {  	v2 =	vld [tilespmem:$0x1270];
	_ =	sdelay $0x7  }
0x156: {  	[tilespmem:v2+s10+$0x0] =	vst.idx.msk $0xffff, v1  }
0x157: {  	v2 =	vld [tilespmem:$0x1300];
	_ =	sdelay $0x7  }
0x158: {  	[tilespmem:v2+s10+$0x0] =	vst.idx.msk $0xffff, v1  }
0x159: {  	v2 =	vld [tilespmem:$0x1310];
	_ =	sdelay $0x7  }
0x15a: {  	[tilespmem:v2+s10+$0x0] =	vst.idx.msk $0xffff, v1  }
0x15b: {  	v2 =	vld [tilespmem:$0x1320];
	_ =	sdelay $0x7  }
0x15c: {  	[tilespmem:v2+s10+$0x0] =	vst.idx.msk $0xffff, v1  }
0x15d: {  	v2 =	vld [tilespmem:$0x1330];
	_ =	sdelay $0x7  }
0x15e: {  	[tilespmem:v2+s10+$0x0] =	vst.idx.msk $0xffff, v1  }
0x15f: {  	v2 =	vld [tilespmem:$0x1340];
	_ =	sdelay $0x7  }
0x160: {  	[tilespmem:v2+s10+$0x0] =	vst.idx.msk $0xffff, v1  }
0x161: {  	v2 =	vld [tilespmem:$0x1350];
	_ =	sdelay $0x7  }
0x162: {  	[tilespmem:v2+s10+$0x0] =	vst.idx.msk $0xffff, v1  }
0x163: {  	v2 =	vld [tilespmem:$0x1360];
	_ =	sdelay $0x7  }
0x164: {  	[tilespmem:v2+s10+$0x0] =	vst.idx.msk $0xffff, v1  }
0x165: {  	v2 =	vld [tilespmem:$0x1370];
	_ =	sdelay $0x3  }
.Ltmp2:
0x166: {  	_ = 	snop;
	(pc) =	sbr.rel .LBB2_7-.Ltmp2, $2  }
0x167: {  	_ =	sdelay $0x2  }
0x168: {  	[tilespmem:v2+s10+$0x0] =	vst.idx.msk $0xffff, v1  }
.LBB2_4:
0x169: {  	s19 =	simm.s32 $0x0  }
0x16a: {  	[tilespmem:s19], [sflag:$0x1] =	stream.linear.gather [hbm4b:s3+s19], $0x5000, $0x38;
	[tilespmem:$0xCA80] =	vst v63  }
0x16b: {  	_ =	swait.ge [sflag:s9], $0x5000  }
0x16c: {  	[sflag:s9] =	ssyncset.done $0x0  }
0x16d: {  	s20 =	simm.s32 $0x260;
	s21 =	simm.s32 $0x130;
	[sflag:s9] =	ssyncadd.s32 $0xFFFFB000  }
.LBB2_5:
0x16e: {  	s22 =	sadd.s32 $0xFFFFFDA0, s20  }
0x16f: {  	s23 =	sand.u32 $0x40, s19;
	s22 =	sand.u32 $0x7F00, s22  }
0x170: {  	s22 =	sor.u32 s23, s22  }
0x171: {  	v2 =	vld [tilespmem:s22+$0x0];
	_ =	sdelay $0x7  }
0x172: {  	[tilespmem:v2+s10+$0x0] =	vst.idx.msk $0xffff, v1  }
0x173: {  	v2 =	vld [tilespmem:s22+$0x10];
	_ =	sdelay $0x7  }
0x174: {  	[tilespmem:v2+s10+$0x0] =	vst.idx.msk $0xffff, v1  }
0x175: {  	v2 =	vld [tilespmem:s22+$0x20];
	_ =	sdelay $0x7  }
0x176: {  	[tilespmem:v2+s10+$0x0] =	vst.idx.msk $0xffff, v1  }
0x177: {  	v2 =	vld [tilespmem:s22+$0x30];
	_ =	sdelay $0x5  }
0x178: {  	s29 =	sadd.s32 $0xFFFFFF10, s21;
	s24 =	sadd.s32 $0xFFFFFE20, s20  }
0x179: {  	s24 =	sand.u32 $0xFF00, s24;
	s23 =	sand.u32 $0x40, s29  }
0x17a: {  	s23 =	sor.u32 s23, s24;
	[tilespmem:v2+s10+$0x0] =	vst.idx.msk $0xffff, v1  }
0x17b: {  	v2 =	vld [tilespmem:s23+$0x0];
	_ =	sdelay $0x5  }
0x17c: {  	s30 =	sadd.s32 $0xFFFFFF20, s21;
	s31 =	sadd.s32 $0xFFFFFE40, s20  }
0x17d: {  	s24 =	sand.u32 $0xFF00, s31;
	s23 =	sand.u32 $0x50, s30  }
0x17e: {  	s23 =	sor.u32 s23, s24;
	[tilespmem:v2+s10+$0x0] =	vst.idx.msk $0xffff, v1  }
0x17f: {  	v2 =	vld [tilespmem:s23+$0x0];
	_ =	sdelay $0x5  }
0x180: {  	s25 =	sadd.s32 $0xFFFFFF30, s21;
	s26 =	sadd.s32 $0xFFFFFE60, s20  }
0x181: {  	s24 =	sand.u32 $0xFF00, s26;
	s23 =	sand.u32 $0x60, s25  }
0x182: {  	s23 =	sor.u32 s23, s24;
	[tilespmem:v2+s10+$0x0] =	vst.idx.msk $0xffff, v1  }
0x183: {  	v2 =	vld [tilespmem:s23+$0x0];
	_ =	sdelay $0x5  }
0x184: {  	s28 =	sadd.s32 $0xFFFFFF40, s21;
	s29 =	sadd.s32 $0xFFFFFE80, s20  }
0x185: {  	s24 =	sand.u32 $0xFF00, s29;
	s23 =	sand.u32 $0x70, s28  }
0x186: {  	s23 =	sor.u32 s23, s24;
	[tilespmem:v2+s10+$0x0] =	vst.idx.msk $0xffff, v1  }
0x187: {  	v2 =	vld [tilespmem:s23+$0x0];
	_ =	sdelay $0x7  }
0x188: {  	[tilespmem:v2+s10+$0x0] =	vst.idx.msk $0xffff, v1  }
0x189: {  	v2 =	vld [tilespmem:s22+$0x100];
	_ =	sdelay $0x5  }
0x18a: {  	s31 =	sadd.s32 $0xFFFFFEC0, s20;
	s30 =	sadd.s32 $0xFFFFFF60, s21  }
0x18b: {  	s24 =	sand.u32 $0xFF00, s31;
	s23 =	sand.u32 $0x50, s30  }
0x18c: {  	s23 =	sor.u32 s23, s24;
	[tilespmem:v2+s10+$0x0] =	vst.idx.msk $0xffff, v1  }
0x18d: {  	v2 =	vld [tilespmem:s23+$0x0];
	_ =	sdelay $0x5  }
0x18e: {  	s26 =	sadd.s32 $0xFFFFFEE0, s20;
	s25 =	sadd.s32 $0xFFFFFF70, s21  }
0x18f: {  	s24 =	sand.u32 $0xFF00, s26;
	s23 =	sand.u32 $0x60, s25  }
0x190: {  	s23 =	sor.u32 s23, s24;
	[tilespmem:v2+s10+$0x0] =	vst.idx.msk $0xffff, v1  }
0x191: {  	v2 =	vld [tilespmem:s23+$0x0];
	_ =	sdelay $0x5  }
0x192: {  	s29 =	sadd.s32 $0xFFFFFF00, s20;
	s28 =	sadd.s32 $0xFFFFFF80, s21  }
0x193: {  	s24 =	sand.u32 $0xFF00, s29;
	s23 =	sand.u32 $0x70, s28  }
0x194: {  	s23 =	sor.u32 s23, s24;
	[tilespmem:v2+s10+$0x0] =	vst.idx.msk $0xffff, v1  }
0x195: {  	v2 =	vld [tilespmem:s23+$0x0];
	_ =	sdelay $0x5  }
0x196: {  	s31 =	sadd.s32 $0xFFFFFF20, s20;
	s30 =	sadd.s32 $0xFFFFFF90, s21  }
0x197: {  	s24 =	sand.u32 $0xFF00, s31;
	s23 =	sand.u32 $0x40, s30  }
0x198: {  	s23 =	sor.u32 s23, s24;
	[tilespmem:v2+s10+$0x0] =	vst.idx.msk $0xffff, v1  }
0x199: {  	v2 =	vld [tilespmem:s23+$0x0];
	_ =	sdelay $0x5  }
0x19a: {  	s26 =	sadd.s32 $0xFFFFFF40, s20;
	s25 =	sadd.s32 $0xFFFFFFA0, s21  }
0x19b: {  	s24 =	sand.u32 $0xFF00, s26;
	s23 =	sand.u32 $0x50, s25  }
0x19c: {  	s23 =	sor.u32 s23, s24;
	[tilespmem:v2+s10+$0x0] =	vst.idx.msk $0xffff, v1  }
0x19d: {  	v2 =	vld [tilespmem:s23+$0x0];
	_ =	sdelay $0x5  }
0x19e: {  	s29 =	sadd.s32 $0xFFFFFF60, s20;
	s28 =	sadd.s32 $0xFFFFFFB0, s21  }
0x19f: {  	s24 =	sand.u32 $0xFF00, s29;
	s23 =	sand.u32 $0x60, s28  }
0x1a0: {  	s23 =	sor.u32 s23, s24;
	[tilespmem:v2+s10+$0x0] =	vst.idx.msk $0xffff, v1  }
0x1a1: {  	v2 =	vld [tilespmem:s23+$0x0];
	_ =	sdelay $0x5  }
0x1a2: {  	s31 =	sadd.s32 $0xFFFFFF80, s20;
	s30 =	sadd.s32 $0xFFFFFFC0, s21  }
0x1a3: {  	s24 =	sand.u32 $0xFF00, s31;
	s23 =	sand.u32 $0x70, s30  }
0x1a4: {  	s23 =	sor.u32 s23, s24;
	[tilespmem:v2+s10+$0x0] =	vst.idx.msk $0xffff, v1  }
0x1a5: {  	v2 =	vld [tilespmem:s23+$0x0];
	_ =	sdelay $0x7  }
0x1a6: {  	[tilespmem:v2+s10+$0x0] =	vst.idx.msk $0xffff, v1  }
0x1a7: {  	v2 =	vld [tilespmem:s22+$0x200];
	_ =	sdelay $0x5  }
0x1a8: {  	s26 =	sadd.s32 $0xFFFFFFC0, s20;
	s25 =	sadd.s32 $0xFFFFFFE0, s21  }
0x1a9: {  	s23 =	sand.u32 $0xFF00, s26;
	s22 =	sand.u32 $0x50, s25  }
0x1aa: {  	s22 =	sor.u32 s22, s23;
	[tilespmem:v2+s10+$0x0] =	vst.idx.msk $0xffff, v1  }
0x1ab: {  	v2 =	vld [tilespmem:s22+$0x0];
	_ =	sdelay $0x5  }
0x1ac: {  	s29 =	sadd.s32 $0xFFFFFFE0, s20;
	s28 =	sadd.s32 $0xFFFFFFF0, s21  }
0x1ad: {  	s23 =	sand.u32 $0xFF00, s29;
	s22 =	sand.u32 $0x60, s28  }
0x1ae: {  	s22 =	sor.u32 s22, s23;
	[tilespmem:v2+s10+$0x0] =	vst.idx.msk $0xffff, v1  }
0x1af: {  	v2 =	vld [tilespmem:s22+$0x0];
	_ =	sdelay $0x6  }
0x1b0: {  	s31 =	sand.u32 $0xFF00, s20;
	s30 =	sand.u32 $0x70, s21  }
0x1b1: {  	s22 =	sor.u32 s30, s31;
	[tilespmem:v2+s10+$0x0] =	vst.idx.msk $0xffff, v1  }
0x1b2: {  	v2 =	vld [tilespmem:s22+$0x0];
	_ =	sdelay $0x2  }
0x1b3: {  	p1 =	seq.s32 s20, $0x4FE0  }
.Ltmp3:
0x1b4: {  	_ = 	snop;
	(pc) =	sbr.rel @!p1 .LBB2_5-.Ltmp3, $2  }
0x1b5: {  	_ =	sdelay $0x2  }
0x1b6: {  	s19 =	sadd.s32 $0x40, s19;
	s20 =	sadd.s32 $0x280, s20;
	s21 =	sadd.s32 $0x140, s21;
	[tilespmem:v2+s10+$0x0] =	vst.idx.msk $0xffff, v1  }
.LBB2_7:
0x1b7: {  	[spmem:s5] =	stream.strided.scatter [tilespmem:s10], [sflag:$0x1], $0x2800, s12, s11, $0x38;
	[tilespmem:$0xCA80] =	vst v63  }
0x1b8: {  	_ =	swait.ge [sflag:s9], $0x2800  }
0x1b9: {  	[sflag:s9] =	ssyncset.done $0x0  }
0x1ba: {  	[sflag:s9] =	ssyncadd.s32 $0xFFFFD800  }
0x1bb: {  	[bflag:$0x0] =	sbarrier.arrive $0xFFFF  }
0x1bc: {  	[tilespmem:s15], [sflag:$0x1] =	stream.strided.gather [spmem:s6], $0x2800, s14, s13, $0x38;
	[tilespmem:$0xCA80] =	vst v63  }
0x1bd: {  	s19 =	simm.s32 $0x0;
	_ =	swait.ge [sflag:s9], $0x2800  }
0x1be: {  	s20 =	sand.u32 $0x70, s19;
	s19 =	sand.u32 $0x1C00, s19;
	[sflag:s9] =	ssyncset.done $0x0  }
0x1bf: {  	s19 =	sor.u32 s20, s19;
	[sflag:s9] =	ssyncadd.s32 $0xFFFFD800  }
0x1c0: {  	v2 =	vld [tilespmem:s19+$0xA080]  }
0x1c1: {  	v3 =	vld [tilespmem:s19+$0xA000];
	_ =	sdelay $0x1  }
0x1c2: {  	v4 =	vld [tilespmem:s19+$0xA100];
	_ =	sdelay $0x1  }
0x1c3: {  	v5 =	vld [tilespmem:s19+$0xA180]  }
0x1c4: {  	v2 =	vadd.f32 v2, v3  }
0x1c5: {  	v3 =	vld [tilespmem:s19+$0xA200]  }
0x1c6: {  	v2 =	vadd.f32 v4, v2  }
0x1c7: {  	v56 =	vld [tilespmem:s19+$0xA280]  }
0x1c8: {  	v2 =	vadd.f32 v5, v2  }
0x1c9: {  	v57 =	vld [tilespmem:s19+$0xA300]  }
0x1ca: {  	v2 =	vadd.f32 v3, v2  }
0x1cb: {  	v3 =	vld [tilespmem:s19+$0xA380]  }
0x1cc: {  	v2 =	vadd.f32 v56, v2  }
0x1cd: {  	v58 =	vld [tilespmem:s19+$0xB400]  }
0x1ce: {  	v2 =	vadd.f32 v57, v2  }
0x1cf: {  	v59 =	vld [tilespmem:s19+$0xB480]  }
0x1d0: {  	v2 =	vadd.f32 v3, v2  }
0x1d1: {  	v3 =	vld [tilespmem:s19+$0xB500]  }
0x1d2: {  	v2 =	vadd.f32 v58, v2  }
0x1d3: {  	v60 =	vld [tilespmem:s19+$0xB580]  }
0x1d4: {  	v2 =	vadd.f32 v59, v2  }
0x1d5: {  	v61 =	vld [tilespmem:s19+$0xB600]  }
0x1d6: {  	v2 =	vadd.f32 v3, v2  }
0x1d7: {  	v3 =	vld [tilespmem:s19+$0xB680]  }
0x1d8: {  	v2 =	vadd.f32 v60, v2  }
0x1d9: {  	v62 =	vld [tilespmem:s19+$0xB700]  }
0x1da: {  	v2 =	vadd.f32 v61, v2  }
0x1db: {  	v63 =	vld [tilespmem:s19+$0xB780]  }
0x1dc: {  	v2 =	vadd.f32 v3, v2;
	_ =	sdelay $0x1  }
0x1dd: {  	v2 =	vadd.f32 v62, v2;
	_ =	sdelay $0x1  }
0x1de: {  	s31 =	simm.s32 $0x10;
	s21 =	simm.s32 $0x80;
	v2 =	vadd.f32 v63, v2  }
0x1df: {  	s22 =	sand.u32 $0x1C00, s21;
	s20 =	sand.u32 $0x70, s31;
	s19 =	simm.s32 $0xC800  }
0x1e0: {  	s20 =	sor.u32 s20, s22;
	s22 =	simm.s32 $0x20;
	[tilespmem:s19+$0x0] =	vst v2  }
.LBB2_8:
0x1e1: {  	p1 =	sne.s32 s22, $0x270;
	v2 =	vld [tilespmem:s20+$0xA080]  }
0x1e2: {  	v3 =	vld [tilespmem:s20+$0xA000];
	_ =	sdelay $0x1  }
0x1e3: {  	v4 =	vld [tilespmem:s20+$0xA100];
	_ =	sdelay $0x1  }
0x1e4: {  	v5 =	vld [tilespmem:s20+$0xA180]  }
0x1e5: {  	v2 =	vadd.f32 v2, v3  }
0x1e6: {  	v3 =	vld [tilespmem:s20+$0xA200]  }
0x1e7: {  	v2 =	vadd.f32 v4, v2  }
0x1e8: {  	v4 =	vld [tilespmem:s20+$0xA280]  }
0x1e9: {  	v2 =	vadd.f32 v5, v2  }
0x1ea: {  	v5 =	vld [tilespmem:s20+$0xA300]  }
0x1eb: {  	v2 =	vadd.f32 v3, v2  }
0x1ec: {  	v3 =	vld [tilespmem:s20+$0xA380]  }
0x1ed: {  	v2 =	vadd.f32 v4, v2  }
0x1ee: {  	v4 =	vld [tilespmem:s20+$0xB400]  }
0x1ef: {  	v2 =	vadd.f32 v5, v2  }
0x1f0: {  	v5 =	vld [tilespmem:s20+$0xB480]  }
0x1f1: {  	v2 =	vadd.f32 v3, v2  }
0x1f2: {  	v3 =	vld [tilespmem:s20+$0xB500]  }
0x1f3: {  	v2 =	vadd.f32 v4, v2  }
0x1f4: {  	v4 =	vld [tilespmem:s20+$0xB580]  }
0x1f5: {  	v2 =	vadd.f32 v5, v2  }
0x1f6: {  	v5 =	vld [tilespmem:s20+$0xB600]  }
0x1f7: {  	v2 =	vadd.f32 v3, v2  }
0x1f8: {  	v3 =	vld [tilespmem:s20+$0xB680]  }
0x1f9: {  	v2 =	vadd.f32 v4, v2  }
0x1fa: {  	v4 =	vld [tilespmem:s20+$0xB700]  }
0x1fb: {  	v2 =	vadd.f32 v5, v2  }
0x1fc: {  	v5 =	vld [tilespmem:s20+$0xB780]  }
0x1fd: {  	v2 =	vadd.f32 v3, v2;
	_ =	sdelay $0x1  }
.Ltmp4:
0x1fe: {  	v2 =	vadd.f32 v4, v2;
	(pc) =	sbr.rel @p1 .LBB2_8-.Ltmp4, $4  }
0x1ff: {  	_ = 	snop  }
0x200: {  	s21 =	sadd.s32 $0x80, s21;
	v2 =	vadd.f32 v5, v2  }
0x201: {  	s19 =	sadd.s32 $0x10, s19;
	s23 =	sand.u32 $0x1C00, s21;
	s20 =	sand.u32 $0x70, s22  }
0x202: {  	s22 =	sadd.s32 $0x10, s22;
	s20 =	sor.u32 s20, s23;
	[tilespmem:s19+$0x0] =	vst v2  }
0x203: {  	v2 =	vld [tilespmem:s20+$0xA080]  }
0x204: {  	v3 =	vld [tilespmem:s20+$0xA000];
	_ =	sdelay $0x1  }
0x205: {  	v4 =	vld [tilespmem:s20+$0xA100];
	_ =	sdelay $0x1  }
0x206: {  	v5 =	vld [tilespmem:s20+$0xA180]  }
0x207: {  	v2 =	vadd.f32 v2, v3  }
0x208: {  	v3 =	vld [tilespmem:s20+$0xA200]  }
0x209: {  	v2 =	vadd.f32 v4, v2  }
0x20a: {  	v56 =	vld [tilespmem:s20+$0xA280]  }
0x20b: {  	v2 =	vadd.f32 v5, v2  }
0x20c: {  	v57 =	vld [tilespmem:s20+$0xA300]  }
0x20d: {  	v2 =	vadd.f32 v3, v2  }
0x20e: {  	v3 =	vld [tilespmem:s20+$0xA380]  }
0x20f: {  	v2 =	vadd.f32 v56, v2  }
0x210: {  	v58 =	vld [tilespmem:s20+$0xB400]  }
0x211: {  	v2 =	vadd.f32 v57, v2  }
0x212: {  	v59 =	vld [tilespmem:s20+$0xB480]  }
0x213: {  	v2 =	vadd.f32 v3, v2  }
0x214: {  	v3 =	vld [tilespmem:s20+$0xB500]  }
0x215: {  	v2 =	vadd.f32 v58, v2  }
0x216: {  	v60 =	vld [tilespmem:s20+$0xB580]  }
0x217: {  	v2 =	vadd.f32 v59, v2  }
0x218: {  	v61 =	vld [tilespmem:s20+$0xB600]  }
0x219: {  	v2 =	vadd.f32 v3, v2  }
0x21a: {  	v3 =	vld [tilespmem:s20+$0xB680]  }
0x21b: {  	v2 =	vadd.f32 v60, v2  }
0x21c: {  	v62 =	vld [tilespmem:s20+$0xB700]  }
0x21d: {  	v2 =	vadd.f32 v61, v2  }
0x21e: {  	v63 =	vld [tilespmem:s20+$0xB780]  }
0x21f: {  	v2 =	vadd.f32 v3, v2;
	_ =	sdelay $0x1  }
0x220: {  	v2 =	vadd.f32 v62, v2;
	_ =	sdelay $0x1  }
0x221: {  	s18 =	sadd.s32 $0x1, s18;
	v2 =	vadd.f32 v63, v2  }
0x222: {  	s19 =	sadd.s32 $0x10, s19;
	p1 =	sne.s32 s18, s8  }
.Ltmp5:
0x223: {  	[tilespmem:s19+$0x0] =	vst v2;
	(pc) =	sbr.rel @p1 .LBB2_1-.Ltmp5, $4  }
0x224: {  	[hbm4b:s7+s11] =	stream.strided.scatter [tilespmem:s17], [sflag:$0x1], $0x280, s16, s11, $0x38;
	[tilespmem:$0xCA80] =	vst v63  }
0x225: {  	_ =	swait.ge [sflag:s9], $0x280  }
0x226: {  	[sflag:s9] =	ssyncset.done $0x0  }
0x227: {  	[sflag:s9] =	ssyncadd.s32 $0xFFFFFD80  }
0x228: {  	_ =	sfence.sel $0x180000  }
0x229: {  	[bflag:$0x0] =	sbarrier.arrive $0xFFFF  }
0x22a: {  	p0 =	sne.s32 s0, $0x0;
	_ =	strace $0x90000047  }
0x22b: {  	s0 =	sadd.s32 @!p0 $0x100000, s1;
	[bflag:$0x2] =	sbarrier.arrive $0xFFFF  }
0x22c: {  	[sflag:s0] =	ssyncadd.tile.s32 @!p0 $0x1;
	_ =	shalt  }
.Lfunc_end2:
_tile_overlayer_lowered:
.L_overlay_start_2:
0x22d: {  	(tag) =	ssettag $0x2  }
0x22e: {  	s0 =	rddreg [dreg:$0x0];
	s2 =	stileid.u32  }
0x22f: {  	s1 =	rddreg [dreg:$0x1];
	p0 =	sne.s32 s2, $0x0  }
0x230: {  	s3 =	rddreg [dreg:$0x2];
	[bflag:$0x3] =	sbarrier.arrive $0xFFFF;
	s2 =	simm.s32 @!p0 $0x1C01  }
0x231: {  	[timem:s3], [sflag:s2] =	dma.local @!p0 [hbm:s0], s1  }
0x232: {  	s0 =	simm.s32 @!p0 $0x1  }
0x233: {  	_ =	swait.ge @!p0 [sflag:s0], s1  }
0x234: {  	s1 =	ssub.s32 @!p0 $0x0, s1;
	[sflag:s0] =	ssyncset.done @!p0 $0x0  }
0x235: {  	[sflag:s0] =	ssyncadd.s32 @!p0 s1  }
0x236: {  	[bflag:$0x3] =	sbarrier.arrive $0xFFFF  }
0x237: {  	_ =	shalt  }

</sc_bundles>
